<compile_context>
chip_gen: v7x
topology: tpu7x:2x2x1
jax: 0.10.2.dev20260603
libtpu: 0.0.44.dev20260713+nightly
codegen_flags: <defaults>
</compile_context>

<pallas_src>
import functools

import jax
import jax.numpy as jnp
from jax import lax
from jax.experimental import pallas as pl
from jax.experimental.pallas import tpu as pltpu
from jax.experimental.pallas import tpu_sc as plsc

B = 64
S = 2048
NGRAM = 3
N = S - NGRAM + 1
LANES = 16
CHUNKS = S // LANES
TBL = 16384
HASH_MULT = -1640531527
HASH_SHIFT = 17
SENT = 1_100_000_000
NC, NS = 2, 16
NW = NC * NS
ROWS_PER_W = B // NW


def _hash(ids):
    prod = ids * jnp.int32(HASH_MULT)
    return lax.shift_right_logical(prod, jnp.int32(HASH_SHIFT)) & jnp.int32(TBL - 1)


def _ids_at(tok_v, base):
    t0 = tok_v[pl.ds(base, LANES)]
    t1 = tok_v[pl.ds(base + 1, LANES)]
    t2 = tok_v[pl.ds(base + 2, LANES)]
    return t0 * jnp.int32(1_000_000) + t1 * jnp.int32(1_000) + t2


def _round(tbl_v, p, act, idv, first, cnt):
    mask = jnp.int32(TBL - 1)
    q = (p + 1) & mask
    r = (p + 2) & mask
    rawp = plsc.load_gather(tbl_v, [p])
    rawq = plsc.load_gather(tbl_v, [q])
    rawr = plsc.load_gather(tbl_v, [r])
    ep = rawp == -1
    eq = rawq == -1
    er = rawr == -1
    found = (rawp == idv) | ((~ep) & (rawq == idv)) | ((~ep) & (~eq) & (rawr == idv))
    tgt = jnp.where(ep, p, jnp.where(eq, q, r))
    ins = act & ~found & (ep | eq | er)
    plsc.store_scatter(tbl_v, [tgt], idv, mask=ins)
    got = plsc.load_gather(tbl_v, [tgt])
    ok = got == idv
    res = found | (ins & ok)
    won = ins & ok & first
    cnt = cnt + jnp.where(won, jnp.int32(1), jnp.int32(0))
    act = act & ~res
    lost = ins & ~ok
    p = jnp.where(lost, tgt, (p + 3) & mask)
    return p, act, cnt


def _insert_pair(tbl0_v, tbl1_v, ida, idb, cnt):
    sca, _ = plsc.scan_count(ida)
    scb, _ = plsc.scan_count(idb)
    fa = sca == 1
    fb = scb == 1
    full = jnp.ones((LANES,), jnp.bool_)

    pa, actA, cnt = _round(tbl0_v, _hash(ida), full, ida, fa, cnt)
    pb, actB, cnt = _round(tbl1_v, _hash(idb), full, idb, fb, cnt)

    def cond(carry):
        _, actA, _, actB, _ = carry
        nact = plsc.all_reduce_population_count(actA | actB)
        return nact[0] > 0

    def body(carry):
        pa, actA, pb, actB, cnt = carry
        pa, actA, cnt = _round(tbl0_v, pa, actA, ida, fa, cnt)
        pb, actB, cnt = _round(tbl1_v, pb, actB, idb, fb, cnt)
        return pa, actA, pb, actB, cnt

    _, _, _, _, cnt = lax.while_loop(cond, body, (pa, actA, pb, actB, cnt))
    return cnt


def _sc_body(tok_hbm, out_hbm, tok0_v, tok1_v, tbl0_v, tbl1_v, out_v, dma_sem):
    wid = lax.axis_index("s") * NC + lax.axis_index("c")
    lane = lax.iota(jnp.int32, LANES)
    neg1 = jnp.full((LANES,), -1, jnp.int32)

    row0 = wid * ROWS_PER_W
    cp0 = pltpu.make_async_copy(
        tok_hbm.at[row0], tok0_v.at[pl.ds(0, S)], dma_sem
    )
    cp1 = pltpu.make_async_copy(
        tok_hbm.at[row0 + 1], tok1_v.at[pl.ds(0, S)], dma_sem
    )
    cp0.start()
    cp1.start()

    def init_body(i, _):
        tbl0_v[pl.ds(i * LANES, LANES)] = neg1
        tbl1_v[pl.ds(i * LANES, LANES)] = neg1
        return 0

    lax.fori_loop(0, TBL // LANES, init_body, 0, unroll=8)

    cp0.wait()
    cp1.wait()
    zeros = jnp.zeros((LANES,), jnp.int32)
    tok0_v[pl.ds(S, LANES)] = zeros
    tok1_v[pl.ds(S, LANES)] = zeros

    def chunk_body(c, cnt):
        base = c * LANES
        return _insert_pair(tbl0_v, tbl1_v, _ids_at(tok0_v, base), _ids_at(tok1_v, base), cnt)

    total = lax.fori_loop(0, CHUNKS - 1, chunk_body, jnp.zeros((LANES,), jnp.int32))

    base = (CHUNKS - 1) * LANES
    sent = jnp.int32(SENT) + lane
    pad = lane >= LANES - 2
    ida = jnp.where(pad, sent, _ids_at(tok0_v, base))
    idb = jnp.where(pad, sent, _ids_at(tok1_v, base))
    total = _insert_pair(tbl0_v, tbl1_v, ida, idb, total)

    out_v[...] = total
    pltpu.sync_copy(out_v, out_hbm.at[wid])


def _tc_mean_body(x_ref, o_ref):
    s = jnp.sum(x_ref[...].astype(jnp.float32))
    val = 1.0 - (s - jnp.float32(B * 2)) * jnp.float32(1.0 / (B * N))
    o_ref[...] = jnp.broadcast_to(val, (1, 1))


def kernel(generated_tokens):
    tokens_flat = generated_tokens.astype(jnp.int32)
    mesh = plsc.VectorSubcoreMesh(core_axis_name="c", subcore_axis_name="s")
    sc_kernel = functools.partial(
        pl.kernel,
        mesh=mesh,
        out_type=jax.ShapeDtypeStruct((NW, LANES), jnp.int32),
        scratch_types=[
            pltpu.VMEM((S + LANES,), jnp.int32),
            pltpu.VMEM((S + LANES,), jnp.int32),
            pltpu.VMEM((TBL,), jnp.int32),
            pltpu.VMEM((TBL,), jnp.int32),
            pltpu.VMEM((LANES,), jnp.int32),
            pltpu.SemaphoreType.DMA,
        ],
        compiler_params=pltpu.CompilerParams(needs_layout_passes=False),
    )(_sc_body)
    counts = sc_kernel(tokens_flat)
    mean = pl.pallas_call(
        _tc_mean_body,
        out_shape=jax.ShapeDtypeStruct((1, 1), jnp.float32),
    )(counts)
    return mean[0, 0]

# --- scband reference (transcript-rebuilt; emitter-appended) ---
"""Pipeline reference for scband-repetition-penalty-loss-51866025067155 (READ-ONLY COPY).

The authoritative reference and input builder live on the scoring server;
editing this copy changes nothing except your own understanding.
"""

import jax, jax.numpy as jnp
import numpy as np

NGRAM_SIZE = 3
VOCAB = 1000  # token values are in [0, VOCAB); VOCAB**NGRAM_SIZE ~ 1e9 fits in int32


def setup_inputs(seed: int = 0) -> dict:
    key = jax.random.key(seed)
    generated_tokens = jax.random.randint(key, (64, 2048), 0, VOCAB, dtype=jnp.int32)
    return {"generated_tokens": generated_tokens}


def reference(generated_tokens) -> jnp.ndarray:
    # Faithful translation of RepetitionPenaltyLoss.forward:
    # for each row, form all n-grams of size NGRAM_SIZE, count unique vs total,
    # penalty_row = 1 - unique/total; return mean over batch.
    tokens = generated_tokens.astype(jnp.int32)
    B, S = tokens.shape
    n = S - NGRAM_SIZE + 1  # number of n-grams per row (>0 for these shapes)
    # Encode each n-gram as a single integer id (perfect hash since values < VOCAB)
    ids = jnp.zeros((B, n), dtype=jnp.int32)
    for k in range(NGRAM_SIZE):
        ids = ids + tokens[:, k:k + n] * (VOCAB ** (NGRAM_SIZE - 1 - k))
    # unique count per row = 1 + number of adjacent differences in sorted order
    sorted_ids = jnp.sort(ids, axis=1)
    uniq = 1 + jnp.sum(sorted_ids[:, 1:] != sorted_ids[:, :-1], axis=1)
    repetition_ratio = 1.0 - uniq.astype(jnp.float32) / jnp.float32(n)
    return jnp.mean(repetition_ratio)

if __name__ == "__main__":
    import jax
    _d = setup_inputs()
    print(jax.jit(kernel)(*tuple(_d.values())))

</pallas_src>

<mosaic_0001>
#map = affine_map<(d0, d1) -> (0, 0)>
module attributes {stable_mosaic.version = 14 : i64} {
  func.func @_sc_body(%arg0: i32, %arg1: i32, %arg2: memref<64x2048xi32, #tpu.memory_space<hbm>>, %arg3: memref<32x16xi32, #tpu.memory_space<hbm>>, %arg4: memref<2064xi32, #tpu.memory_space<vmem>>, %arg5: memref<2064xi32, #tpu.memory_space<vmem>>, %arg6: memref<16384xi32, #tpu.memory_space<vmem>>, %arg7: memref<16384xi32, #tpu.memory_space<vmem>>, %arg8: memref<16xi32, #tpu.memory_space<vmem>>, %arg9: memref<!tpu.dma_semaphore, #tpu.memory_space<semaphore_mem>>) attributes {dimension_semantics = [#tpu.dimension_semantics<core_parallel>, #tpu.dimension_semantics<subcore_parallel>], iteration_bounds = array<i64: 2, 16>, scalar_prefetch = 0 : i64, scratch_operands = 6 : i64, tpu.core_type = #tpu.core_type<sc_vector_subcore>, window_params = [{transform_indices = #map}, {transform_indices = #map}]} {
    %mul3A = arith.constant 2 : i32
    %mul3A_0 = arith.muli %arg1, %mul3A : i32
    %add3A = arith.addi %mul3A_0, %arg0 : i32
    %iota3A = tpu.iota {dimensions = array<i32: 0>} : vector<16xi32>
    %broadcast_in_dim3A = arith.constant -1 : i32
    %broadcast_in_dim3A_1 = vector.broadcast %broadcast_in_dim3A : i32 to vector<16xi32>
    %mul3A_2 = arith.constant 2 : i32
    %mul3A_3 = arith.muli %add3A, %mul3A_2 : i32
    %add3A_4 = arith.constant 1 : i32
    %add3A_5 = arith.addi %mul3A_3, %add3A_4 : i32
    %dma_start3A = arith.constant 0 : i32
    %dma_start3A_6 = tpu.memref_slice %arg4[%dma_start3A] : memref<2064xi32, #tpu.memory_space<vmem>> -> memref<2048xi32, #tpu.memory_space<vmem>>
    %dma_start3A_7 = arith.constant 0 : i32
    %dma_start3A_8 = tpu.memref_slice %arg2[%mul3A_3, %dma_start3A_7] : memref<64x2048xi32, #tpu.memory_space<hbm>> -> memref<1x2048xi32, #tpu.memory_space<hbm>>
    %dma_start3A_9 = tpu.memref_squeeze %dma_start3A_8 : memref<1x2048xi32, #tpu.memory_space<hbm>> -> memref<2048xi32, #tpu.memory_space<hbm>>
    %dma_start3A_10 = arith.constant 0 : i32
    %dma_start3A_11 = tpu.memref_slice %arg4[%dma_start3A_10] : memref<2064xi32, #tpu.memory_space<vmem>> -> memref<2048xi32, #tpu.memory_space<vmem>>
    %dma_start3A_12 = arith.constant 0 : i32
    %dma_start3A_13 = tpu.memref_slice %arg2[%mul3A_3, %dma_start3A_12] : memref<64x2048xi32, #tpu.memory_space<hbm>> -> memref<1x2048xi32, #tpu.memory_space<hbm>>
    %dma_start3A_14 = tpu.memref_squeeze %dma_start3A_13 : memref<1x2048xi32, #tpu.memory_space<hbm>> -> memref<2048xi32, #tpu.memory_space<hbm>>
    tpu.enqueue_dma source(%dma_start3A_14 : memref<2048xi32, #tpu.memory_space<hbm>>) target(%dma_start3A_11 : memref<2048xi32, #tpu.memory_space<vmem>>) target_semaphore(%arg9 : memref<!tpu.dma_semaphore, #tpu.memory_space<semaphore_mem>>)
    %dma_start3A_15 = arith.constant 0 : i32
    %dma_start3A_16 = tpu.memref_slice %arg5[%dma_start3A_15] : memref<2064xi32, #tpu.memory_space<vmem>> -> memref<2048xi32, #tpu.memory_space<vmem>>
    %dma_start3A_17 = arith.constant 0 : i32
    %dma_start3A_18 = tpu.memref_slice %arg2[%add3A_5, %dma_start3A_17] : memref<64x2048xi32, #tpu.memory_space<hbm>> -> memref<1x2048xi32, #tpu.memory_space<hbm>>
    %dma_start3A_19 = tpu.memref_squeeze %dma_start3A_18 : memref<1x2048xi32, #tpu.memory_space<hbm>> -> memref<2048xi32, #tpu.memory_space<hbm>>
    %dma_start3A_20 = arith.constant 0 : i32
    %dma_start3A_21 = tpu.memref_slice %arg5[%dma_start3A_20] : memref<2064xi32, #tpu.memory_space<vmem>> -> memref<2048xi32, #tpu.memory_space<vmem>>
    %dma_start3A_22 = arith.constant 0 : i32
    %dma_start3A_23 = tpu.memref_slice %arg2[%add3A_5, %dma_start3A_22] : memref<64x2048xi32, #tpu.memory_space<hbm>> -> memref<1x2048xi32, #tpu.memory_space<hbm>>
    %dma_start3A_24 = tpu.memref_squeeze %dma_start3A_23 : memref<1x2048xi32, #tpu.memory_space<hbm>> -> memref<2048xi32, #tpu.memory_space<hbm>>
    tpu.enqueue_dma source(%dma_start3A_24 : memref<2048xi32, #tpu.memory_space<hbm>>) target(%dma_start3A_21 : memref<2048xi32, #tpu.memory_space<vmem>>) target_semaphore(%arg9 : memref<!tpu.dma_semaphore, #tpu.memory_space<semaphore_mem>>)
    %scan3A = arith.constant 0 : i32
    %scan3A_25 = arith.constant 0 : i32
    %scan3A_26 = arith.constant 1024 : i32
    %scan3A_27 = arith.addi %scan3A_25, %scan3A_26 : i32
    %scan3A_28 = arith.constant 8 : i32
    %scan3A_29 = scf.for %scan3A_266 = %scan3A_25 to %scan3A_27 step %scan3A_28 iter_args(%scan3A_267 = %scan3A) -> (i32)  : i32 {
      %mul3A_268 = arith.constant 16 : i32
      %mul3A_269 = arith.muli %scan3A_266, %mul3A_268 : i32
      %swap3A_270 = arith.index_cast %mul3A_269 : i32 to index
      %swap3A_271 = tpu.vector_load %arg6[%swap3A_270] {strides = array<i32>} : memref<16384xi32, #tpu.memory_space<vmem>>, vector<16xi32>,
      tpu.vector_store %arg6[%swap3A_270], %broadcast_in_dim3A_1 {strides = array<i32>} : memref<16384xi32, #tpu.memory_space<vmem>>, vector<16xi32>,
      %mul3A_272 = arith.constant 16 : i32
      %mul3A_273 = arith.muli %scan3A_266, %mul3A_272 : i32
      %swap3A_274 = arith.index_cast %mul3A_273 : i32 to index
      %swap3A_275 = tpu.vector_load %arg7[%swap3A_274] {strides = array<i32>} : memref<16384xi32, #tpu.memory_space<vmem>>, vector<16xi32>,
      tpu.vector_store %arg7[%swap3A_274], %broadcast_in_dim3A_1 {strides = array<i32>} : memref<16384xi32, #tpu.memory_space<vmem>>, vector<16xi32>,
      %scan3A_276 = arith.constant 0 : i32
      %scan3A_277 = arith.constant 1 : i32
      %scan3A_278 = arith.addi %scan3A_266, %scan3A_277 : i32
      %mul3A_279 = arith.constant 16 : i32
      %mul3A_280 = arith.muli %scan3A_278, %mul3A_279 : i32
      %swap3A_281 = arith.index_cast %mul3A_280 : i32 to index
      %swap3A_282 = tpu.vector_load %arg6[%swap3A_281] {strides = array<i32>} : memref<16384xi32, #tpu.memory_space<vmem>>, vector<16xi32>,
      tpu.vector_store %arg6[%swap3A_281], %broadcast_in_dim3A_1 {strides = array<i32>} : memref<16384xi32, #tpu.memory_space<vmem>>, vector<16xi32>,
      %mul3A_283 = arith.constant 16 : i32
      %mul3A_284 = arith.muli %scan3A_278, %mul3A_283 : i32
      %swap3A_285 = arith.index_cast %mul3A_284 : i32 to index
      %swap3A_286 = tpu.vector_load %arg7[%swap3A_285] {strides = array<i32>} : memref<16384xi32, #tpu.memory_space<vmem>>, vector<16xi32>,
      tpu.vector_store %arg7[%swap3A_285], %broadcast_in_dim3A_1 {strides = array<i32>} : memref<16384xi32, #tpu.memory_space<vmem>>, vector<16xi32>,
      %scan3A_287 = arith.constant 0 : i32
      %scan3A_288 = arith.constant 2 : i32
      %scan3A_289 = arith.addi %scan3A_266, %scan3A_288 : i32
      %mul3A_290 = arith.constant 16 : i32
      %mul3A_291 = arith.muli %scan3A_289, %mul3A_290 : i32
      %swap3A_292 = arith.index_cast %mul3A_291 : i32 to index
      %swap3A_293 = tpu.vector_load %arg6[%swap3A_292] {strides = array<i32>} : memref<16384xi32, #tpu.memory_space<vmem>>, vector<16xi32>,
      tpu.vector_store %arg6[%swap3A_292], %broadcast_in_dim3A_1 {strides = array<i32>} : memref<16384xi32, #tpu.memory_space<vmem>>, vector<16xi32>,
      %mul3A_294 = arith.constant 16 : i32
      %mul3A_295 = arith.muli %scan3A_289, %mul3A_294 : i32
      %swap3A_296 = arith.index_cast %mul3A_295 : i32 to index
      %swap3A_297 = tpu.vector_load %arg7[%swap3A_296] {strides = array<i32>} : memref<16384xi32, #tpu.memory_space<vmem>>, vector<16xi32>,
      tpu.vector_store %arg7[%swap3A_296], %broadcast_in_dim3A_1 {strides = array<i32>} : memref<16384xi32, #tpu.memory_space<vmem>>, vector<16xi32>,
      %scan3A_298 = arith.constant 0 : i32
      %scan3A_299 = arith.constant 3 : i32
      %scan3A_300 = arith.addi %scan3A_266, %scan3A_299 : i32
      %mul3A_301 = arith.constant 16 : i32
      %mul3A_302 = arith.muli %scan3A_300, %mul3A_301 : i32
      %swap3A_303 = arith.index_cast %mul3A_302 : i32 to index
      %swap3A_304 = tpu.vector_load %arg6[%swap3A_303] {strides = array<i32>} : memref<16384xi32, #tpu.memory_space<vmem>>, vector<16xi32>,
      tpu.vector_store %arg6[%swap3A_303], %broadcast_in_dim3A_1 {strides = array<i32>} : memref<16384xi32, #tpu.memory_space<vmem>>, vector<16xi32>,
      %mul3A_305 = arith.constant 16 : i32
      %mul3A_306 = arith.muli %scan3A_300, %mul3A_305 : i32
      %swap3A_307 = arith.index_cast %mul3A_306 : i32 to index
      %swap3A_308 = tpu.vector_load %arg7[%swap3A_307] {strides = array<i32>} : memref<16384xi32, #tpu.memory_space<vmem>>, vector<16xi32>,
      tpu.vector_store %arg7[%swap3A_307], %broadcast_in_dim3A_1 {strides = array<i32>} : memref<16384xi32, #tpu.memory_space<vmem>>, vector<16xi32>,
      %scan3A_309 = arith.constant 0 : i32
      %scan3A_310 = arith.constant 4 : i32
      %scan3A_311 = arith.addi %scan3A_266, %scan3A_310 : i32
      %mul3A_312 = arith.constant 16 : i32
      %mul3A_313 = arith.muli %scan3A_311, %mul3A_312 : i32
      %swap3A_314 = arith.index_cast %mul3A_313 : i32 to index
      %swap3A_315 = tpu.vector_load %arg6[%swap3A_314] {strides = array<i32>} : memref<16384xi32, #tpu.memory_space<vmem>>, vector<16xi32>,
      tpu.vector_store %arg6[%swap3A_314], %broadcast_in_dim3A_1 {strides = array<i32>} : memref<16384xi32, #tpu.memory_space<vmem>>, vector<16xi32>,
      %mul3A_316 = arith.constant 16 : i32
      %mul3A_317 = arith.muli %scan3A_311, %mul3A_316 : i32
      %swap3A_318 = arith.index_cast %mul3A_317 : i32 to index
      %swap3A_319 = tpu.vector_load %arg7[%swap3A_318] {strides = array<i32>} : memref<16384xi32, #tpu.memory_space<vmem>>, vector<16xi32>,
      tpu.vector_store %arg7[%swap3A_318], %broadcast_in_dim3A_1 {strides = array<i32>} : memref<16384xi32, #tpu.memory_space<vmem>>, vector<16xi32>,
      %scan3A_320 = arith.constant 0 : i32
      %scan3A_321 = arith.constant 5 : i32
      %scan3A_322 = arith.addi %scan3A_266, %scan3A_321 : i32
      %mul3A_323 = arith.constant 16 : i32
      %mul3A_324 = arith.muli %scan3A_322, %mul3A_323 : i32
      %swap3A_325 = arith.index_cast %mul3A_324 : i32 to index
      %swap3A_326 = tpu.vector_load %arg6[%swap3A_325] {strides = array<i32>} : memref<16384xi32, #tpu.memory_space<vmem>>, vector<16xi32>,
      tpu.vector_store %arg6[%swap3A_325], %broadcast_in_dim3A_1 {strides = array<i32>} : memref<16384xi32, #tpu.memory_space<vmem>>, vector<16xi32>,
      %mul3A_327 = arith.constant 16 : i32
      %mul3A_328 = arith.muli %scan3A_322, %mul3A_327 : i32
      %swap3A_329 = arith.index_cast %mul3A_328 : i32 to index
      %swap3A_330 = tpu.vector_load %arg7[%swap3A_329] {strides = array<i32>} : memref<16384xi32, #tpu.memory_space<vmem>>, vector<16xi32>,
      tpu.vector_store %arg7[%swap3A_329], %broadcast_in_dim3A_1 {strides = array<i32>} : memref<16384xi32, #tpu.memory_space<vmem>>, vector<16xi32>,
      %scan3A_331 = arith.constant 0 : i32
      %scan3A_332 = arith.constant 6 : i32
      %scan3A_333 = arith.addi %scan3A_266, %scan3A_332 : i32
      %mul3A_334 = arith.constant 16 : i32
      %mul3A_335 = arith.muli %scan3A_333, %mul3A_334 : i32
      %swap3A_336 = arith.index_cast %mul3A_335 : i32 to index
      %swap3A_337 = tpu.vector_load %arg6[%swap3A_336] {strides = array<i32>} : memref<16384xi32, #tpu.memory_space<vmem>>, vector<16xi32>,
      tpu.vector_store %arg6[%swap3A_336], %broadcast_in_dim3A_1 {strides = array<i32>} : memref<16384xi32, #tpu.memory_space<vmem>>, vector<16xi32>,
      %mul3A_338 = arith.constant 16 : i32
      %mul3A_339 = arith.muli %scan3A_333, %mul3A_338 : i32
      %swap3A_340 = arith.index_cast %mul3A_339 : i32 to index
      %swap3A_341 = tpu.vector_load %arg7[%swap3A_340] {strides = array<i32>} : memref<16384xi32, #tpu.memory_space<vmem>>, vector<16xi32>,
      tpu.vector_store %arg7[%swap3A_340], %broadcast_in_dim3A_1 {strides = array<i32>} : memref<16384xi32, #tpu.memory_space<vmem>>, vector<16xi32>,
      %scan3A_342 = arith.constant 0 : i32
      %scan3A_343 = arith.constant 7 : i32
      %scan3A_344 = arith.addi %scan3A_266, %scan3A_343 : i32
      %mul3A_345 = arith.constant 16 : i32
      %mul3A_346 = arith.muli %scan3A_344, %mul3A_345 : i32
      %swap3A_347 = arith.index_cast %mul3A_346 : i32 to index
      %swap3A_348 = tpu.vector_load %arg6[%swap3A_347] {strides = array<i32>} : memref<16384xi32, #tpu.memory_space<vmem>>, vector<16xi32>,
      tpu.vector_store %arg6[%swap3A_347], %broadcast_in_dim3A_1 {strides = array<i32>} : memref<16384xi32, #tpu.memory_space<vmem>>, vector<16xi32>,
      %mul3A_349 = arith.constant 16 : i32
      %mul3A_350 = arith.muli %scan3A_344, %mul3A_349 : i32
      %swap3A_351 = arith.index_cast %mul3A_350 : i32 to index
      %swap3A_352 = tpu.vector_load %arg7[%swap3A_351] {strides = array<i32>} : memref<16384xi32, #tpu.memory_space<vmem>>, vector<16xi32>,
      tpu.vector_store %arg7[%swap3A_351], %broadcast_in_dim3A_1 {strides = array<i32>} : memref<16384xi32, #tpu.memory_space<vmem>>, vector<16xi32>,
      %scan3A_353 = arith.constant 0 : i32
      scf.yield %scan3A_353 : i32
    }
    %scan3A_30 = arith.constant 1024 : i32
    %dma_wait3A = arith.constant 0 : i32
    %dma_wait3A_31 = tpu.memref_slice %arg4[%dma_wait3A] : memref<2064xi32, #tpu.memory_space<vmem>> -> memref<2048xi32, #tpu.memory_space<vmem>>
    %dma_wait3A_32 = arith.constant 0 : i32
    %dma_wait3A_33 = tpu.memref_slice %arg2[%mul3A_3, %dma_wait3A_32] : memref<64x2048xi32, #tpu.memory_space<hbm>> -> memref<1x2048xi32, #tpu.memory_space<hbm>>
    %dma_wait3A_34 = tpu.memref_squeeze %dma_wait3A_33 : memref<1x2048xi32, #tpu.memory_space<hbm>> -> memref<2048xi32, #tpu.memory_space<hbm>>
    %dma_wait3A_35 = arith.constant 0 : i32
    %dma_wait3A_36 = tpu.memref_slice %arg4[%dma_wait3A_35] : memref<2064xi32, #tpu.memory_space<vmem>> -> memref<2048xi32, #tpu.memory_space<vmem>>
    %dma_wait3A_37 = arith.constant 0 : i32
    %dma_wait3A_38 = tpu.memref_slice %arg2[%mul3A_3, %dma_wait3A_37] : memref<64x2048xi32, #tpu.memory_space<hbm>> -> memref<1x2048xi32, #tpu.memory_space<hbm>>
    %dma_wait3A_39 = tpu.memref_squeeze %dma_wait3A_38 : memref<1x2048xi32, #tpu.memory_space<hbm>> -> memref<2048xi32, #tpu.memory_space<hbm>>
    tpu.wait_dma2 semaphore(%arg9 : memref<!tpu.dma_semaphore, #tpu.memory_space<semaphore_mem>>) src(%dma_wait3A_39 : memref<2048xi32, #tpu.memory_space<hbm>>) dst(%dma_wait3A_36 : memref<2048xi32, #tpu.memory_space<vmem>>)
    %dma_wait3A_40 = arith.constant 0 : i32
    %dma_wait3A_41 = tpu.memref_slice %arg5[%dma_wait3A_40] : memref<2064xi32, #tpu.memory_space<vmem>> -> memref<2048xi32, #tpu.memory_space<vmem>>
    %dma_wait3A_42 = arith.constant 0 : i32
    %dma_wait3A_43 = tpu.memref_slice %arg2[%add3A_5, %dma_wait3A_42] : memref<64x2048xi32, #tpu.memory_space<hbm>> -> memref<1x2048xi32, #tpu.memory_space<hbm>>
    %dma_wait3A_44 = tpu.memref_squeeze %dma_wait3A_43 : memref<1x2048xi32, #tpu.memory_space<hbm>> -> memref<2048xi32, #tpu.memory_space<hbm>>
    %dma_wait3A_45 = arith.constant 0 : i32
    %dma_wait3A_46 = tpu.memref_slice %arg5[%dma_wait3A_45] : memref<2064xi32, #tpu.memory_space<vmem>> -> memref<2048xi32, #tpu.memory_space<vmem>>
    %dma_wait3A_47 = arith.constant 0 : i32
    %dma_wait3A_48 = tpu.memref_slice %arg2[%add3A_5, %dma_wait3A_47] : memref<64x2048xi32, #tpu.memory_space<hbm>> -> memref<1x2048xi32, #tpu.memory_space<hbm>>
    %dma_wait3A_49 = tpu.memref_squeeze %dma_wait3A_48 : memref<1x2048xi32, #tpu.memory_space<hbm>> -> memref<2048xi32, #tpu.memory_space<hbm>>
    tpu.wait_dma2 semaphore(%arg9 : memref<!tpu.dma_semaphore, #tpu.memory_space<semaphore_mem>>) src(%dma_wait3A_49 : memref<2048xi32, #tpu.memory_space<hbm>>) dst(%dma_wait3A_46 : memref<2048xi32, #tpu.memory_space<vmem>>)
    %broadcast_in_dim3A_50 = arith.constant 0 : i32
    %broadcast_in_dim3A_51 = vector.broadcast %broadcast_in_dim3A_50 : i32 to vector<16xi32>
    %swap3A = arith.constant 2048 : index
    %swap3A_52 = tpu.vector_load %arg4[%swap3A] {strides = array<i32>} : memref<2064xi32, #tpu.memory_space<vmem>>, vector<16xi32>,
    tpu.vector_store %arg4[%swap3A], %broadcast_in_dim3A_51 {strides = array<i32>} : memref<2064xi32, #tpu.memory_space<vmem>>, vector<16xi32>,
    %swap3A_53 = arith.constant 2048 : index
    %swap3A_54 = tpu.vector_load %arg5[%swap3A_53] {strides = array<i32>} : memref<2064xi32, #tpu.memory_space<vmem>>, vector<16xi32>,
    tpu.vector_store %arg5[%swap3A_53], %broadcast_in_dim3A_51 {strides = array<i32>} : memref<2064xi32, #tpu.memory_space<vmem>>, vector<16xi32>,
    %broadcast_in_dim3A_55 = arith.constant 0 : i32
    %broadcast_in_dim3A_56 = vector.broadcast %broadcast_in_dim3A_55 : i32 to vector<16xi32>
    %scan3A_57 = arith.constant 0 : i32
    %scan3A_58 = arith.constant 127 : i32
    %scan3A_59 = arith.addi %scan3A_57, %scan3A_58 : i32
    %scan3A_60 = arith.constant 1 : i32
    %scan3A_61 = scf.for %scan3A_266 = %scan3A_57 to %scan3A_59 step %scan3A_60 iter_args(%scan3A_267 = %broadcast_in_dim3A_56) -> (vector<16xi32>)  : i32 {
      %mul3A_268 = arith.constant 16 : i32
      %mul3A_269 = arith.muli %scan3A_266, %mul3A_268 : i32
      %get3A_270 = arith.index_cast %mul3A_269 : i32 to index
      %get3A_271 = tpu.vector_load %arg4[%get3A_270] {strides = array<i32>} : memref<2064xi32, #tpu.memory_space<vmem>>, vector<16xi32>,
      %add3A_272 = arith.constant 1 : i32
      %add3A_273 = arith.addi %mul3A_269, %add3A_272 : i32
      %get3A_274 = arith.index_cast %add3A_273 : i32 to index
      %get3A_275 = tpu.vector_load %arg4[%get3A_274] {strides = array<i32>} : memref<2064xi32, #tpu.memory_space<vmem>>, vector<16xi32>,
      %add3A_276 = arith.constant 2 : i32
      %add3A_277 = arith.addi %mul3A_269, %add3A_276 : i32
      %get3A_278 = arith.index_cast %add3A_277 : i32 to index
      %get3A_279 = tpu.vector_load %arg4[%get3A_278] {strides = array<i32>} : memref<2064xi32, #tpu.memory_space<vmem>>, vector<16xi32>,
      %mul3A_280 = arith.constant 1000000 : i32
      %mul3A_281 = vector.broadcast %mul3A_280 : i32 to vector<16xi32>
      %mul3A_282 = arith.muli %get3A_271, %mul3A_281 : vector<16xi32>
      %mul3A_283 = arith.constant 1000 : i32
      %mul3A_284 = vector.broadcast %mul3A_283 : i32 to vector<16xi32>
      %mul3A_285 = arith.muli %get3A_275, %mul3A_284 : vector<16xi32>
      %add3A_286 = arith.addi %mul3A_282, %mul3A_285 : vector<16xi32>
      %add3A_287 = arith.addi %add3A_286, %get3A_279 : vector<16xi32>
      %get3A_288 = arith.index_cast %mul3A_269 : i32 to index
      %get3A_289 = tpu.vector_load %arg5[%get3A_288] {strides = array<i32>} : memref<2064xi32, #tpu.memory_space<vmem>>, vector<16xi32>,
      %add3A_290 = arith.constant 1 : i32
      %add3A_291 = arith.addi %mul3A_269, %add3A_290 : i32
      %get3A_292 = arith.index_cast %add3A_291 : i32 to index
      %get3A_293 = tpu.vector_load %arg5[%get3A_292] {strides = array<i32>} : memref<2064xi32, #tpu.memory_space<vmem>>, vector<16xi32>,
      %add3A_294 = arith.constant 2 : i32
      %add3A_295 = arith.addi %mul3A_269, %add3A_294 : i32
      %get3A_296 = arith.index_cast %add3A_295 : i32 to index
      %get3A_297 = tpu.vector_load %arg5[%get3A_296] {strides = array<i32>} : memref<2064xi32, #tpu.memory_space<vmem>>, vector<16xi32>,
      %mul3A_298 = arith.constant 1000000 : i32
      %mul3A_299 = vector.broadcast %mul3A_298 : i32 to vector<16xi32>
      %mul3A_300 = arith.muli %get3A_289, %mul3A_299 : vector<16xi32>
      %mul3A_301 = arith.constant 1000 : i32
      %mul3A_302 = vector.broadcast %mul3A_301 : i32 to vector<16xi32>
      %mul3A_303 = arith.muli %get3A_293, %mul3A_302 : vector<16xi32>
      %add3A_304 = arith.addi %mul3A_300, %mul3A_303 : vector<16xi32>
      %add3A_305 = arith.addi %add3A_304, %get3A_297 : vector<16xi32>
      %broadcast_in_dim3A_306 = arith.constant true
      %broadcast_in_dim3A_307 = vector.broadcast %broadcast_in_dim3A_306 : i1 to vector<16xi1>
      %unique3A_308, %unique3A_309 = tpu.scan_count mask(%broadcast_in_dim3A_307 : vector<16xi1>) value(%add3A_287 : vector<16xi32>) : vector<16xi1>, vector<16xi32>
      %broadcast_in_dim3A_310 = arith.constant true
      %broadcast_in_dim3A_311 = vector.broadcast %broadcast_in_dim3A_310 : i1 to vector<16xi1>
      %unique3A_312, %unique3A_313 = tpu.scan_count mask(%broadcast_in_dim3A_311 : vector<16xi1>) value(%add3A_305 : vector<16xi32>) : vector<16xi1>, vector<16xi32>
      %eq3A_314 = arith.constant 1 : i32
      %eq3A_315 = vector.broadcast %eq3A_314 : i32 to vector<16xi32>
      %eq3A_316 = arith.cmpi eq, %unique3A_309, %eq3A_315 : vector<16xi32>
      %eq3A_317 = arith.constant 1 : i32
      %eq3A_318 = vector.broadcast %eq3A_317 : i32 to vector<16xi32>
      %eq3A_319 = arith.cmpi eq, %unique3A_313, %eq3A_318 : vector<16xi32>
      %broadcast_in_dim3A_320 = arith.constant true
      %broadcast_in_dim3A_321 = vector.broadcast %broadcast_in_dim3A_320 : i1 to vector<16xi1>
      %mul3A_322 = arith.constant -1640531527 : i32
      %mul3A_323 = vector.broadcast %mul3A_322 : i32 to vector<16xi32>
      %mul3A_324 = arith.muli %add3A_287, %mul3A_323 : vector<16xi32>
      %shift_right_logical3A_325 = arith.constant 17 : i32
      %shift_right_logical3A_326 = vector.broadcast %shift_right_logical3A_325 : i32 to vector<16xi32>
      %shift_right_logical3A_327 = arith.shrui %mul3A_324, %shift_right_logical3A_326 : vector<16xi32>
      %and3A_328 = arith.constant 16383 : i32
      %and3A_329 = vector.broadcast %and3A_328 : i32 to vector<16xi32>
      %and3A_330 = arith.andi %shift_right_logical3A_327, %and3A_329 : vector<16xi32>
      %add3A_331 = arith.constant 1 : i32
      %add3A_332 = vector.broadcast %add3A_331 : i32 to vector<16xi32>
      %add3A_333 = arith.addi %and3A_330, %add3A_332 : vector<16xi32>
      %and3A_334 = arith.constant 16383 : i32
      %and3A_335 = vector.broadcast %and3A_334 : i32 to vector<16xi32>
      %and3A_336 = arith.andi %add3A_333, %and3A_335 : vector<16xi32>
      %add3A_337 = arith.constant 2 : i32
      %add3A_338 = vector.broadcast %add3A_337 : i32 to vector<16xi32>
      %add3A_339 = arith.addi %and3A_330, %add3A_338 : vector<16xi32>
      %and3A_340 = arith.constant 16383 : i32
      %and3A_341 = vector.broadcast %and3A_340 : i32 to vector<16xi32>
      %and3A_342 = arith.andi %add3A_339, %and3A_341 : vector<16xi32>
      %gather3A_343 = tpu.vector_load_idx %arg6[%and3A_330] : memref<16384xi32, #tpu.memory_space<vmem>>[vector<16xi32>], vector<16xi32>,
      %gather3A_344 = tpu.vector_load_idx %arg6[%and3A_336] : memref<16384xi32, #tpu.memory_space<vmem>>[vector<16xi32>], vector<16xi32>,
      %gather3A_345 = tpu.vector_load_idx %arg6[%and3A_342] : memref<16384xi32, #tpu.memory_space<vmem>>[vector<16xi32>], vector<16xi32>,
      %eq3A_346 = arith.constant -1 : i32
      %eq3A_347 = vector.broadcast %eq3A_346 : i32 to vector<16xi32>
      %eq3A_348 = arith.cmpi eq, %gather3A_343, %eq3A_347 : vector<16xi32>
      %eq3A_349 = arith.constant -1 : i32
      %eq3A_350 = vector.broadcast %eq3A_349 : i32 to vector<16xi32>
      %eq3A_351 = arith.cmpi eq, %gather3A_344, %eq3A_350 : vector<16xi32>
      %eq3A_352 = arith.constant -1 : i32
      %eq3A_353 = vector.broadcast %eq3A_352 : i32 to vector<16xi32>
      %eq3A_354 = arith.cmpi eq, %gather3A_345, %eq3A_353 : vector<16xi32>
      %eq3A_355 = arith.cmpi eq, %gather3A_343, %add3A_287 : vector<16xi32>
      %not3A_356 = arith.constant dense<true> : vector<16xi1>
      %not3A_357 = arith.xori %eq3A_348, %not3A_356 : vector<16xi1>
      %eq3A_358 = arith.cmpi eq, %gather3A_344, %add3A_287 : vector<16xi32>
      %and3A_359 = arith.andi %not3A_357, %eq3A_358 : vector<16xi1>
      %or3A_360 = arith.ori %eq3A_355, %and3A_359 : vector<16xi1>
      %not3A_361 = arith.constant dense<true> : vector<16xi1>
      %not3A_362 = arith.xori %eq3A_348, %not3A_361 : vector<16xi1>
      %not3A_363 = arith.constant dense<true> : vector<16xi1>
      %not3A_364 = arith.xori %eq3A_351, %not3A_363 : vector<16xi1>
      %and3A_365 = arith.andi %not3A_362, %not3A_364 : vector<16xi1>
      %eq3A_366 = arith.cmpi eq, %gather3A_345, %add3A_287 : vector<16xi32>
      %and3A_367 = arith.andi %and3A_365, %eq3A_366 : vector<16xi1>
      %or3A_368 = arith.ori %or3A_360, %and3A_367 : vector<16xi1>
      %select_n3A_369 = arith.select %eq3A_351, %and3A_336, %and3A_342 : vector<16xi1>, vector<16xi32>
      %select_n3A_370 = arith.select %eq3A_348, %and3A_330, %select_n3A_369 : vector<16xi1>, vector<16xi32>
      %not3A_371 = arith.constant dense<true> : vector<16xi1>
      %not3A_372 = arith.xori %or3A_368, %not3A_371 : vector<16xi1>
      %and3A_373 = arith.andi %broadcast_in_dim3A_321, %not3A_372 : vector<16xi1>
      %or3A_374 = arith.ori %eq3A_348, %eq3A_351 : vector<16xi1>
      %or3A_375 = arith.ori %or3A_374, %eq3A_354 : vector<16xi1>
      %and3A_376 = arith.andi %and3A_373, %or3A_375 : vector<16xi1>
      tpu.vector_store_idx %arg6[%select_n3A_370], %add3A_287 masked %and3A_376 : memref<16384xi32, #tpu.memory_space<vmem>>[vector<16xi32>], vector<16xi32>, vector<16xi1>
      %gather3A_377 = tpu.vector_load_idx %arg6[%select_n3A_370] : memref<16384xi32, #tpu.memory_space<vmem>>[vector<16xi32>], vector<16xi32>,
      %eq3A_378 = arith.cmpi eq, %gather3A_377, %add3A_287 : vector<16xi32>
      %and3A_379 = arith.andi %and3A_376, %eq3A_378 : vector<16xi1>
      %or3A_380 = arith.ori %or3A_368, %and3A_379 : vector<16xi1>
      %and3A_381 = arith.andi %and3A_376, %eq3A_378 : vector<16xi1>
      %and3A_382 = arith.andi %and3A_381, %eq3A_316 : vector<16xi1>
      %jit3A_383 = arith.constant 1 : i32
      %jit3A_384 = arith.constant 0 : i32
      %broadcast_in_dim3A_385 = vector.broadcast %jit3A_383 : i32 to vector<16xi32>
      %broadcast_in_dim3A_386 = vector.broadcast %jit3A_384 : i32 to vector<16xi32>
      %select_n3A_387 = arith.select %and3A_382, %broadcast_in_dim3A_385, %broadcast_in_dim3A_386 : vector<16xi1>, vector<16xi32>
      %add3A_388 = arith.addi %scan3A_267, %select_n3A_387 : vector<16xi32>
      %not3A_389 = arith.constant dense<true> : vector<16xi1>
      %not3A_390 = arith.xori %or3A_380, %not3A_389 : vector<16xi1>
      %and3A_391 = arith.andi %broadcast_in_dim3A_321, %not3A_390 : vector<16xi1>
      %not3A_392 = arith.constant dense<true> : vector<16xi1>
      %not3A_393 = arith.xori %eq3A_378, %not3A_392 : vector<16xi1>
      %and3A_394 = arith.andi %and3A_376, %not3A_393 : vector<16xi1>
      %add3A_395 = arith.constant 3 : i32
      %add3A_396 = vector.broadcast %add3A_395 : i32 to vector<16xi32>
      %add3A_397 = arith.addi %and3A_330, %add3A_396 : vector<16xi32>
      %and3A_398 = arith.constant 16383 : i32
      %and3A_399 = vector.broadcast %and3A_398 : i32 to vector<16xi32>
      %and3A_400 = arith.andi %add3A_397, %and3A_399 : vector<16xi32>
      %select_n3A_401 = arith.select %and3A_394, %select_n3A_370, %and3A_400 : vector<16xi1>, vector<16xi32>
      %mul3A_402 = arith.constant -1640531527 : i32
      %mul3A_403 = vector.broadcast %mul3A_402 : i32 to vector<16xi32>
      %mul3A_404 = arith.muli %add3A_305, %mul3A_403 : vector<16xi32>
      %shift_right_logical3A_405 = arith.constant 17 : i32
      %shift_right_logical3A_406 = vector.broadcast %shift_right_logical3A_405 : i32 to vector<16xi32>
      %shift_right_logical3A_407 = arith.shrui %mul3A_404, %shift_right_logical3A_406 : vector<16xi32>
      %and3A_408 = arith.constant 16383 : i32
      %and3A_409 = vector.broadcast %and3A_408 : i32 to vector<16xi32>
      %and3A_410 = arith.andi %shift_right_logical3A_407, %and3A_409 : vector<16xi32>
      %add3A_411 = arith.constant 1 : i32
      %add3A_412 = vector.broadcast %add3A_411 : i32 to vector<16xi32>
      %add3A_413 = arith.addi %and3A_410, %add3A_412 : vector<16xi32>
      %and3A_414 = arith.constant 16383 : i32
      %and3A_415 = vector.broadcast %and3A_414 : i32 to vector<16xi32>
      %and3A_416 = arith.andi %add3A_413, %and3A_415 : vector<16xi32>
      %add3A_417 = arith.constant 2 : i32
      %add3A_418 = vector.broadcast %add3A_417 : i32 to vector<16xi32>
      %add3A_419 = arith.addi %and3A_410, %add3A_418 : vector<16xi32>
      %and3A_420 = arith.constant 16383 : i32
      %and3A_421 = vector.broadcast %and3A_420 : i32 to vector<16xi32>
      %and3A_422 = arith.andi %add3A_419, %and3A_421 : vector<16xi32>
      %gather3A_423 = tpu.vector_load_idx %arg7[%and3A_410] : memref<16384xi32, #tpu.memory_space<vmem>>[vector<16xi32>], vector<16xi32>,
      %gather3A_424 = tpu.vector_load_idx %arg7[%and3A_416] : memref<16384xi32, #tpu.memory_space<vmem>>[vector<16xi32>], vector<16xi32>,
      %gather3A_425 = tpu.vector_load_idx %arg7[%and3A_422] : memref<16384xi32, #tpu.memory_space<vmem>>[vector<16xi32>], vector<16xi32>,
      %eq3A_426 = arith.constant -1 : i32
      %eq3A_427 = vector.broadcast %eq3A_426 : i32 to vector<16xi32>
      %eq3A_428 = arith.cmpi eq, %gather3A_423, %eq3A_427 : vector<16xi32>
      %eq3A_429 = arith.constant -1 : i32
      %eq3A_430 = vector.broadcast %eq3A_429 : i32 to vector<16xi32>
      %eq3A_431 = arith.cmpi eq, %gather3A_424, %eq3A_430 : vector<16xi32>
      %eq3A_432 = arith.constant -1 : i32
      %eq3A_433 = vector.broadcast %eq3A_432 : i32 to vector<16xi32>
      %eq3A_434 = arith.cmpi eq, %gather3A_425, %eq3A_433 : vector<16xi32>
      %eq3A_435 = arith.cmpi eq, %gather3A_423, %add3A_305 : vector<16xi32>
      %not3A_436 = arith.constant dense<true> : vector<16xi1>
      %not3A_437 = arith.xori %eq3A_428, %not3A_436 : vector<16xi1>
      %eq3A_438 = arith.cmpi eq, %gather3A_424, %add3A_305 : vector<16xi32>
      %and3A_439 = arith.andi %not3A_437, %eq3A_438 : vector<16xi1>
      %or3A_440 = arith.ori %eq3A_435, %and3A_439 : vector<16xi1>
      %not3A_441 = arith.constant dense<true> : vector<16xi1>
      %not3A_442 = arith.xori %eq3A_428, %not3A_441 : vector<16xi1>
      %not3A_443 = arith.constant dense<true> : vector<16xi1>
      %not3A_444 = arith.xori %eq3A_431, %not3A_443 : vector<16xi1>
      %and3A_445 = arith.andi %not3A_442, %not3A_444 : vector<16xi1>
      %eq3A_446 = arith.cmpi eq, %gather3A_425, %add3A_305 : vector<16xi32>
      %and3A_447 = arith.andi %and3A_445, %eq3A_446 : vector<16xi1>
      %or3A_448 = arith.ori %or3A_440, %and3A_447 : vector<16xi1>
      %select_n3A_449 = arith.select %eq3A_431, %and3A_416, %and3A_422 : vector<16xi1>, vector<16xi32>
      %select_n3A_450 = arith.select %eq3A_428, %and3A_410, %select_n3A_449 : vector<16xi1>, vector<16xi32>
      %not3A_451 = arith.constant dense<true> : vector<16xi1>
      %not3A_452 = arith.xori %or3A_448, %not3A_451 : vector<16xi1>
      %and3A_453 = arith.andi %broadcast_in_dim3A_321, %not3A_452 : vector<16xi1>
      %or3A_454 = arith.ori %eq3A_428, %eq3A_431 : vector<16xi1>
      %or3A_455 = arith.ori %or3A_454, %eq3A_434 : vector<16xi1>
      %and3A_456 = arith.andi %and3A_453, %or3A_455 : vector<16xi1>
      tpu.vector_store_idx %arg7[%select_n3A_450], %add3A_305 masked %and3A_456 : memref<16384xi32, #tpu.memory_space<vmem>>[vector<16xi32>], vector<16xi32>, vector<16xi1>
      %gather3A_457 = tpu.vector_load_idx %arg7[%select_n3A_450] : memref<16384xi32, #tpu.memory_space<vmem>>[vector<16xi32>], vector<16xi32>,
      %eq3A_458 = arith.cmpi eq, %gather3A_457, %add3A_305 : vector<16xi32>
      %and3A_459 = arith.andi %and3A_456, %eq3A_458 : vector<16xi1>
      %or3A_460 = arith.ori %or3A_448, %and3A_459 : vector<16xi1>
      %and3A_461 = arith.andi %and3A_456, %eq3A_458 : vector<16xi1>
      %and3A_462 = arith.andi %and3A_461, %eq3A_319 : vector<16xi1>
      %jit3A_463 = arith.constant 1 : i32
      %jit3A_464 = arith.constant 0 : i32
      %broadcast_in_dim3A_465 = vector.broadcast %jit3A_463 : i32 to vector<16xi32>
      %broadcast_in_dim3A_466 = vector.broadcast %jit3A_464 : i32 to vector<16xi32>
      %select_n3A_467 = arith.select %and3A_462, %broadcast_in_dim3A_465, %broadcast_in_dim3A_466 : vector<16xi1>, vector<16xi32>
      %add3A_468 = arith.addi %add3A_388, %select_n3A_467 : vector<16xi32>
      %not3A_469 = arith.constant dense<true> : vector<16xi1>
      %not3A_470 = arith.xori %or3A_460, %not3A_469 : vector<16xi1>
      %and3A_471 = arith.andi %broadcast_in_dim3A_321, %not3A_470 : vector<16xi1>
      %not3A_472 = arith.constant dense<true> : vector<16xi1>
      %not3A_473 = arith.xori %eq3A_458, %not3A_472 : vector<16xi1>
      %and3A_474 = arith.andi %and3A_456, %not3A_473 : vector<16xi1>
      %add3A_475 = arith.constant 3 : i32
      %add3A_476 = vector.broadcast %add3A_475 : i32 to vector<16xi32>
      %add3A_477 = arith.addi %and3A_410, %add3A_476 : vector<16xi32>
      %and3A_478 = arith.constant 16383 : i32
      %and3A_479 = vector.broadcast %and3A_478 : i32 to vector<16xi32>
      %and3A_480 = arith.andi %add3A_477, %and3A_479 : vector<16xi32>
      %select_n3A_481 = arith.select %and3A_474, %select_n3A_450, %and3A_480 : vector<16xi1>, vector<16xi32>
      %while3A_482:5 = scf.while (%while3A_483 = %select_n3A_401, %while3A_484 = %and3A_391, %while3A_485 = %select_n3A_481, %while3A_486 = %and3A_471, %while3A_487 = %add3A_468) : (vector<16xi32>, vector<16xi1>, vector<16xi32>, vector<16xi1>, vector<16xi32>) -> (vector<16xi32>, vector<16xi1>, vector<16xi32>, vector<16xi1>, vector<16xi32>) {
        %or3A_488 = arith.ori %while3A_484, %while3A_486 : vector<16xi1>
        %all_reduce_population_count3A = tpu.all_reduce %or3A_488 {dim = 0 : i64, kind = #tpu.reduction_kind<sum>} : vector<16xi1> -> vector<16xi32>
        %slice3A = vector.extract_strided_slice %all_reduce_population_count3A {offsets = [0], sizes = [1], strides = [1]} : vector<16xi32> to vector<1xi32>
        %squeeze3A = vector.extract %slice3A[0] : i32 from vector<1xi32>
        %gt3A = arith.constant 0 : i32
        %gt3A_489 = arith.cmpi sgt, %squeeze3A, %gt3A : i32
        scf.condition(%gt3A_489) %while3A_483, %while3A_484, %while3A_485, %while3A_486, %while3A_487 : vector<16xi32>, vector<16xi1>, vector<16xi32>, vector<16xi1>, vector<16xi32>
      } do {
      ^bb0(%while3A_483: vector<16xi32>, %while3A_484: vector<16xi1>, %while3A_485: vector<16xi32>, %while3A_486: vector<16xi1>, %while3A_487: vector<16xi32>):
        %add3A_488 = arith.constant 1 : i32
        %add3A_489 = vector.broadcast %add3A_488 : i32 to vector<16xi32>
        %add3A_490 = arith.addi %while3A_483, %add3A_489 : vector<16xi32>
        %and3A_491 = arith.constant 16383 : i32
        %and3A_492 = vector.broadcast %and3A_491 : i32 to vector<16xi32>
        %and3A_493 = arith.andi %add3A_490, %and3A_492 : vector<16xi32>
        %add3A_494 = arith.constant 2 : i32
        %add3A_495 = vector.broadcast %add3A_494 : i32 to vector<16xi32>
        %add3A_496 = arith.addi %while3A_483, %add3A_495 : vector<16xi32>
        %and3A_497 = arith.constant 16383 : i32
        %and3A_498 = vector.broadcast %and3A_497 : i32 to vector<16xi32>
        %and3A_499 = arith.andi %add3A_496, %and3A_498 : vector<16xi32>
        %gather3A_500 = tpu.vector_load_idx %arg6[%while3A_483] : memref<16384xi32, #tpu.memory_space<vmem>>[vector<16xi32>], vector<16xi32>,
        %gather3A_501 = tpu.vector_load_idx %arg6[%and3A_493] : memref<16384xi32, #tpu.memory_space<vmem>>[vector<16xi32>], vector<16xi32>,
        %gather3A_502 = tpu.vector_load_idx %arg6[%and3A_499] : memref<16384xi32, #tpu.memory_space<vmem>>[vector<16xi32>], vector<16xi32>,
        %eq3A_503 = arith.constant -1 : i32
        %eq3A_504 = vector.broadcast %eq3A_503 : i32 to vector<16xi32>
        %eq3A_505 = arith.cmpi eq, %gather3A_500, %eq3A_504 : vector<16xi32>
        %eq3A_506 = arith.constant -1 : i32
        %eq3A_507 = vector.broadcast %eq3A_506 : i32 to vector<16xi32>
        %eq3A_508 = arith.cmpi eq, %gather3A_501, %eq3A_507 : vector<16xi32>
        %eq3A_509 = arith.constant -1 : i32
        %eq3A_510 = vector.broadcast %eq3A_509 : i32 to vector<16xi32>
        %eq3A_511 = arith.cmpi eq, %gather3A_502, %eq3A_510 : vector<16xi32>
        %eq3A_512 = arith.cmpi eq, %gather3A_500, %add3A_287 : vector<16xi32>
        %not3A_513 = arith.constant dense<true> : vector<16xi1>
        %not3A_514 = arith.xori %eq3A_505, %not3A_513 : vector<16xi1>
        %eq3A_515 = arith.cmpi eq, %gather3A_501, %add3A_287 : vector<16xi32>
        %and3A_516 = arith.andi %not3A_514, %eq3A_515 : vector<16xi1>
        %or3A_517 = arith.ori %eq3A_512, %and3A_516 : vector<16xi1>
        %not3A_518 = arith.constant dense<true> : vector<16xi1>
        %not3A_519 = arith.xori %eq3A_505, %not3A_518 : vector<16xi1>
        %not3A_520 = arith.constant dense<true> : vector<16xi1>
        %not3A_521 = arith.xori %eq3A_508, %not3A_520 : vector<16xi1>
        %and3A_522 = arith.andi %not3A_519, %not3A_521 : vector<16xi1>
        %eq3A_523 = arith.cmpi eq, %gather3A_502, %add3A_287 : vector<16xi32>
        %and3A_524 = arith.andi %and3A_522, %eq3A_523 : vector<16xi1>
        %or3A_525 = arith.ori %or3A_517, %and3A_524 : vector<16xi1>
        %select_n3A_526 = arith.select %eq3A_508, %and3A_493, %and3A_499 : vector<16xi1>, vector<16xi32>
        %select_n3A_527 = arith.select %eq3A_505, %while3A_483, %select_n3A_526 : vector<16xi1>, vector<16xi32>
        %not3A_528 = arith.constant dense<true> : vector<16xi1>
        %not3A_529 = arith.xori %or3A_525, %not3A_528 : vector<16xi1>
        %and3A_530 = arith.andi %while3A_484, %not3A_529 : vector<16xi1>
        %or3A_531 = arith.ori %eq3A_505, %eq3A_508 : vector<16xi1>
        %or3A_532 = arith.ori %or3A_531, %eq3A_511 : vector<16xi1>
        %and3A_533 = arith.andi %and3A_530, %or3A_532 : vector<16xi1>
        tpu.vector_store_idx %arg6[%select_n3A_527], %add3A_287 masked %and3A_533 : memref<16384xi32, #tpu.memory_space<vmem>>[vector<16xi32>], vector<16xi32>, vector<16xi1>
        %gather3A_534 = tpu.vector_load_idx %arg6[%select_n3A_527] : memref<16384xi32, #tpu.memory_space<vmem>>[vector<16xi32>], vector<16xi32>,
        %eq3A_535 = arith.cmpi eq, %gather3A_534, %add3A_287 : vector<16xi32>
        %and3A_536 = arith.andi %and3A_533, %eq3A_535 : vector<16xi1>
        %or3A_537 = arith.ori %or3A_525, %and3A_536 : vector<16xi1>
        %and3A_538 = arith.andi %and3A_533, %eq3A_535 : vector<16xi1>
        %and3A_539 = arith.andi %and3A_538, %eq3A_316 : vector<16xi1>
        %jit3A_540 = arith.constant 1 : i32
        %jit3A_541 = arith.constant 0 : i32
        %broadcast_in_dim3A_542 = vector.broadcast %jit3A_540 : i32 to vector<16xi32>
        %broadcast_in_dim3A_543 = vector.broadcast %jit3A_541 : i32 to vector<16xi32>
        %select_n3A_544 = arith.select %and3A_539, %broadcast_in_dim3A_542, %broadcast_in_dim3A_543 : vector<16xi1>, vector<16xi32>
        %add3A_545 = arith.addi %while3A_487, %select_n3A_544 : vector<16xi32>
        %not3A_546 = arith.constant dense<true> : vector<16xi1>
        %not3A_547 = arith.xori %or3A_537, %not3A_546 : vector<16xi1>
        %and3A_548 = arith.andi %while3A_484, %not3A_547 : vector<16xi1>
        %not3A_549 = arith.constant dense<true> : vector<16xi1>
        %not3A_550 = arith.xori %eq3A_535, %not3A_549 : vector<16xi1>
        %and3A_551 = arith.andi %and3A_533, %not3A_550 : vector<16xi1>
        %add3A_552 = arith.constant 3 : i32
        %add3A_553 = vector.broadcast %add3A_552 : i32 to vector<16xi32>
        %add3A_554 = arith.addi %while3A_483, %add3A_553 : vector<16xi32>
        %and3A_555 = arith.constant 16383 : i32
        %and3A_556 = vector.broadcast %and3A_555 : i32 to vector<16xi32>
        %and3A_557 = arith.andi %add3A_554, %and3A_556 : vector<16xi32>
        %select_n3A_558 = arith.select %and3A_551, %select_n3A_527, %and3A_557 : vector<16xi1>, vector<16xi32>
        %add3A_559 = arith.constant 1 : i32
        %add3A_560 = vector.broadcast %add3A_559 : i32 to vector<16xi32>
        %add3A_561 = arith.addi %while3A_485, %add3A_560 : vector<16xi32>
        %and3A_562 = arith.constant 16383 : i32
        %and3A_563 = vector.broadcast %and3A_562 : i32 to vector<16xi32>
        %and3A_564 = arith.andi %add3A_561, %and3A_563 : vector<16xi32>
        %add3A_565 = arith.constant 2 : i32
        %add3A_566 = vector.broadcast %add3A_565 : i32 to vector<16xi32>
        %add3A_567 = arith.addi %while3A_485, %add3A_566 : vector<16xi32>
        %and3A_568 = arith.constant 16383 : i32
        %and3A_569 = vector.broadcast %and3A_568 : i32 to vector<16xi32>
        %and3A_570 = arith.andi %add3A_567, %and3A_569 : vector<16xi32>
        %gather3A_571 = tpu.vector_load_idx %arg7[%while3A_485] : memref<16384xi32, #tpu.memory_space<vmem>>[vector<16xi32>], vector<16xi32>,
        %gather3A_572 = tpu.vector_load_idx %arg7[%and3A_564] : memref<16384xi32, #tpu.memory_space<vmem>>[vector<16xi32>], vector<16xi32>,
        %gather3A_573 = tpu.vector_load_idx %arg7[%and3A_570] : memref<16384xi32, #tpu.memory_space<vmem>>[vector<16xi32>], vector<16xi32>,
        %eq3A_574 = arith.constant -1 : i32
        %eq3A_575 = vector.broadcast %eq3A_574 : i32 to vector<16xi32>
        %eq3A_576 = arith.cmpi eq, %gather3A_571, %eq3A_575 : vector<16xi32>
        %eq3A_577 = arith.constant -1 : i32
        %eq3A_578 = vector.broadcast %eq3A_577 : i32 to vector<16xi32>
        %eq3A_579 = arith.cmpi eq, %gather3A_572, %eq3A_578 : vector<16xi32>
        %eq3A_580 = arith.constant -1 : i32
        %eq3A_581 = vector.broadcast %eq3A_580 : i32 to vector<16xi32>
        %eq3A_582 = arith.cmpi eq, %gather3A_573, %eq3A_581 : vector<16xi32>
        %eq3A_583 = arith.cmpi eq, %gather3A_571, %add3A_305 : vector<16xi32>
        %not3A_584 = arith.constant dense<true> : vector<16xi1>
        %not3A_585 = arith.xori %eq3A_576, %not3A_584 : vector<16xi1>
        %eq3A_586 = arith.cmpi eq, %gather3A_572, %add3A_305 : vector<16xi32>
        %and3A_587 = arith.andi %not3A_585, %eq3A_586 : vector<16xi1>
        %or3A_588 = arith.ori %eq3A_583, %and3A_587 : vector<16xi1>
        %not3A_589 = arith.constant dense<true> : vector<16xi1>
        %not3A_590 = arith.xori %eq3A_576, %not3A_589 : vector<16xi1>
        %not3A_591 = arith.constant dense<true> : vector<16xi1>
        %not3A_592 = arith.xori %eq3A_579, %not3A_591 : vector<16xi1>
        %and3A_593 = arith.andi %not3A_590, %not3A_592 : vector<16xi1>
        %eq3A_594 = arith.cmpi eq, %gather3A_573, %add3A_305 : vector<16xi32>
        %and3A_595 = arith.andi %and3A_593, %eq3A_594 : vector<16xi1>
        %or3A_596 = arith.ori %or3A_588, %and3A_595 : vector<16xi1>
        %select_n3A_597 = arith.select %eq3A_579, %and3A_564, %and3A_570 : vector<16xi1>, vector<16xi32>
        %select_n3A_598 = arith.select %eq3A_576, %while3A_485, %select_n3A_597 : vector<16xi1>, vector<16xi32>
        %not3A_599 = arith.constant dense<true> : vector<16xi1>
        %not3A_600 = arith.xori %or3A_596, %not3A_599 : vector<16xi1>
        %and3A_601 = arith.andi %while3A_486, %not3A_600 : vector<16xi1>
        %or3A_602 = arith.ori %eq3A_576, %eq3A_579 : vector<16xi1>
        %or3A_603 = arith.ori %or3A_602, %eq3A_582 : vector<16xi1>
        %and3A_604 = arith.andi %and3A_601, %or3A_603 : vector<16xi1>
        tpu.vector_store_idx %arg7[%select_n3A_598], %add3A_305 masked %and3A_604 : memref<16384xi32, #tpu.memory_space<vmem>>[vector<16xi32>], vector<16xi32>, vector<16xi1>
        %gather3A_605 = tpu.vector_load_idx %arg7[%select_n3A_598] : memref<16384xi32, #tpu.memory_space<vmem>>[vector<16xi32>], vector<16xi32>,
        %eq3A_606 = arith.cmpi eq, %gather3A_605, %add3A_305 : vector<16xi32>
        %and3A_607 = arith.andi %and3A_604, %eq3A_606 : vector<16xi1>
        %or3A_608 = arith.ori %or3A_596, %and3A_607 : vector<16xi1>
        %and3A_609 = arith.andi %and3A_604, %eq3A_606 : vector<16xi1>
        %and3A_610 = arith.andi %and3A_609, %eq3A_319 : vector<16xi1>
        %jit3A_611 = arith.constant 1 : i32
        %jit3A_612 = arith.constant 0 : i32
        %broadcast_in_dim3A_613 = vector.broadcast %jit3A_611 : i32 to vector<16xi32>
        %broadcast_in_dim3A_614 = vector.broadcast %jit3A_612 : i32 to vector<16xi32>
        %select_n3A_615 = arith.select %and3A_610, %broadcast_in_dim3A_613, %broadcast_in_dim3A_614 : vector<16xi1>, vector<16xi32>
        %add3A_616 = arith.addi %add3A_545, %select_n3A_615 : vector<16xi32>
        %not3A_617 = arith.constant dense<true> : vector<16xi1>
        %not3A_618 = arith.xori %or3A_608, %not3A_617 : vector<16xi1>
        %and3A_619 = arith.andi %while3A_486, %not3A_618 : vector<16xi1>
        %not3A_620 = arith.constant dense<true> : vector<16xi1>
        %not3A_621 = arith.xori %eq3A_606, %not3A_620 : vector<16xi1>
        %and3A_622 = arith.andi %and3A_604, %not3A_621 : vector<16xi1>
        %add3A_623 = arith.constant 3 : i32
        %add3A_624 = vector.broadcast %add3A_623 : i32 to vector<16xi32>
        %add3A_625 = arith.addi %while3A_485, %add3A_624 : vector<16xi32>
        %and3A_626 = arith.constant 16383 : i32
        %and3A_627 = vector.broadcast %and3A_626 : i32 to vector<16xi32>
        %and3A_628 = arith.andi %add3A_625, %and3A_627 : vector<16xi32>
        %select_n3A_629 = arith.select %and3A_622, %select_n3A_598, %and3A_628 : vector<16xi1>, vector<16xi32>
        scf.yield %select_n3A_558, %and3A_548, %select_n3A_629, %and3A_619, %add3A_616 : vector<16xi32>, vector<16xi1>, vector<16xi32>, vector<16xi1>, vector<16xi32>
      }
      scf.yield %while3A_482#4 : vector<16xi32>
    }
    %scan3A_62 = arith.constant 127 : i32
    %add3A_63 = arith.constant 1100000000 : i32
    %add3A_64 = vector.broadcast %add3A_63 : i32 to vector<16xi32>
    %add3A_65 = arith.addi %add3A_64, %iota3A : vector<16xi32>
    %ge3A = arith.constant 14 : i32
    %ge3A_66 = vector.broadcast %ge3A : i32 to vector<16xi32>
    %ge3A_67 = arith.cmpi sge, %iota3A, %ge3A_66 : vector<16xi32>
    %get3A = arith.constant 2032 : index
    %get3A_68 = tpu.vector_load %arg4[%get3A] {strides = array<i32>} : memref<2064xi32, #tpu.memory_space<vmem>>, vector<16xi32>,
    %get3A_69 = arith.constant 2033 : index
    %get3A_70 = tpu.vector_load %arg4[%get3A_69] {strides = array<i32>} : memref<2064xi32, #tpu.memory_space<vmem>>, vector<16xi32>,
    %get3A_71 = arith.constant 2034 : index
    %get3A_72 = tpu.vector_load %arg4[%get3A_71] {strides = array<i32>} : memref<2064xi32, #tpu.memory_space<vmem>>, vector<16xi32>,
    %mul3A_73 = arith.constant 1000000 : i32
    %mul3A_74 = vector.broadcast %mul3A_73 : i32 to vector<16xi32>
    %mul3A_75 = arith.muli %get3A_68, %mul3A_74 : vector<16xi32>
    %mul3A_76 = arith.constant 1000 : i32
    %mul3A_77 = vector.broadcast %mul3A_76 : i32 to vector<16xi32>
    %mul3A_78 = arith.muli %get3A_70, %mul3A_77 : vector<16xi32>
    %add3A_79 = arith.addi %mul3A_75, %mul3A_78 : vector<16xi32>
    %add3A_80 = arith.addi %add3A_79, %get3A_72 : vector<16xi32>
    %select_n3A = arith.select %ge3A_67, %add3A_65, %add3A_80 : vector<16xi1>, vector<16xi32>
    %get3A_81 = arith.constant 2032 : index
    %get3A_82 = tpu.vector_load %arg5[%get3A_81] {strides = array<i32>} : memref<2064xi32, #tpu.memory_space<vmem>>, vector<16xi32>,
    %get3A_83 = arith.constant 2033 : index
    %get3A_84 = tpu.vector_load %arg5[%get3A_83] {strides = array<i32>} : memref<2064xi32, #tpu.memory_space<vmem>>, vector<16xi32>,
    %get3A_85 = arith.constant 2034 : index
    %get3A_86 = tpu.vector_load %arg5[%get3A_85] {strides = array<i32>} : memref<2064xi32, #tpu.memory_space<vmem>>, vector<16xi32>,
    %mul3A_87 = arith.constant 1000000 : i32
    %mul3A_88 = vector.broadcast %mul3A_87 : i32 to vector<16xi32>
    %mul3A_89 = arith.muli %get3A_82, %mul3A_88 : vector<16xi32>
    %mul3A_90 = arith.constant 1000 : i32
    %mul3A_91 = vector.broadcast %mul3A_90 : i32 to vector<16xi32>
    %mul3A_92 = arith.muli %get3A_84, %mul3A_91 : vector<16xi32>
    %add3A_93 = arith.addi %mul3A_89, %mul3A_92 : vector<16xi32>
    %add3A_94 = arith.addi %add3A_93, %get3A_86 : vector<16xi32>
    %select_n3A_95 = arith.select %ge3A_67, %add3A_65, %add3A_94 : vector<16xi1>, vector<16xi32>
    %broadcast_in_dim3A_96 = arith.constant true
    %broadcast_in_dim3A_97 = vector.broadcast %broadcast_in_dim3A_96 : i1 to vector<16xi1>
    %unique3A, %unique3A_98 = tpu.scan_count mask(%broadcast_in_dim3A_97 : vector<16xi1>) value(%select_n3A : vector<16xi32>) : vector<16xi1>, vector<16xi32>
    %broadcast_in_dim3A_99 = arith.constant true
    %broadcast_in_dim3A_100 = vector.broadcast %broadcast_in_dim3A_99 : i1 to vector<16xi1>
    %unique3A_101, %unique3A_102 = tpu.scan_count mask(%broadcast_in_dim3A_100 : vector<16xi1>) value(%select_n3A_95 : vector<16xi32>) : vector<16xi1>, vector<16xi32>
    %eq3A = arith.constant 1 : i32
    %eq3A_103 = vector.broadcast %eq3A : i32 to vector<16xi32>
    %eq3A_104 = arith.cmpi eq, %unique3A_98, %eq3A_103 : vector<16xi32>
    %eq3A_105 = arith.constant 1 : i32
    %eq3A_106 = vector.broadcast %eq3A_105 : i32 to vector<16xi32>
    %eq3A_107 = arith.cmpi eq, %unique3A_102, %eq3A_106 : vector<16xi32>
    %broadcast_in_dim3A_108 = arith.constant true
    %broadcast_in_dim3A_109 = vector.broadcast %broadcast_in_dim3A_108 : i1 to vector<16xi1>
    %mul3A_110 = arith.constant -1640531527 : i32
    %mul3A_111 = vector.broadcast %mul3A_110 : i32 to vector<16xi32>
    %mul3A_112 = arith.muli %select_n3A, %mul3A_111 : vector<16xi32>
    %shift_right_logical3A = arith.constant 17 : i32
    %shift_right_logical3A_113 = vector.broadcast %shift_right_logical3A : i32 to vector<16xi32>
    %shift_right_logical3A_114 = arith.shrui %mul3A_112, %shift_right_logical3A_113 : vector<16xi32>
    %and3A = arith.constant 16383 : i32
    %and3A_115 = vector.broadcast %and3A : i32 to vector<16xi32>
    %and3A_116 = arith.andi %shift_right_logical3A_114, %and3A_115 : vector<16xi32>
    %add3A_117 = arith.constant 1 : i32
    %add3A_118 = vector.broadcast %add3A_117 : i32 to vector<16xi32>
    %add3A_119 = arith.addi %and3A_116, %add3A_118 : vector<16xi32>
    %and3A_120 = arith.constant 16383 : i32
    %and3A_121 = vector.broadcast %and3A_120 : i32 to vector<16xi32>
    %and3A_122 = arith.andi %add3A_119, %and3A_121 : vector<16xi32>
    %add3A_123 = arith.constant 2 : i32
    %add3A_124 = vector.broadcast %add3A_123 : i32 to vector<16xi32>
    %add3A_125 = arith.addi %and3A_116, %add3A_124 : vector<16xi32>
    %and3A_126 = arith.constant 16383 : i32
    %and3A_127 = vector.broadcast %and3A_126 : i32 to vector<16xi32>
    %and3A_128 = arith.andi %add3A_125, %and3A_127 : vector<16xi32>
    %gather3A = tpu.vector_load_idx %arg6[%and3A_116] : memref<16384xi32, #tpu.memory_space<vmem>>[vector<16xi32>], vector<16xi32>,
    %gather3A_129 = tpu.vector_load_idx %arg6[%and3A_122] : memref<16384xi32, #tpu.memory_space<vmem>>[vector<16xi32>], vector<16xi32>,
    %gather3A_130 = tpu.vector_load_idx %arg6[%and3A_128] : memref<16384xi32, #tpu.memory_space<vmem>>[vector<16xi32>], vector<16xi32>,
    %eq3A_131 = arith.constant -1 : i32
    %eq3A_132 = vector.broadcast %eq3A_131 : i32 to vector<16xi32>
    %eq3A_133 = arith.cmpi eq, %gather3A, %eq3A_132 : vector<16xi32>
    %eq3A_134 = arith.constant -1 : i32
    %eq3A_135 = vector.broadcast %eq3A_134 : i32 to vector<16xi32>
    %eq3A_136 = arith.cmpi eq, %gather3A_129, %eq3A_135 : vector<16xi32>
    %eq3A_137 = arith.constant -1 : i32
    %eq3A_138 = vector.broadcast %eq3A_137 : i32 to vector<16xi32>
    %eq3A_139 = arith.cmpi eq, %gather3A_130, %eq3A_138 : vector<16xi32>
    %eq3A_140 = arith.cmpi eq, %gather3A, %select_n3A : vector<16xi32>
    %not3A = arith.constant dense<true> : vector<16xi1>
    %not3A_141 = arith.xori %eq3A_133, %not3A : vector<16xi1>
    %eq3A_142 = arith.cmpi eq, %gather3A_129, %select_n3A : vector<16xi32>
    %and3A_143 = arith.andi %not3A_141, %eq3A_142 : vector<16xi1>
    %or3A = arith.ori %eq3A_140, %and3A_143 : vector<16xi1>
    %not3A_144 = arith.constant dense<true> : vector<16xi1>
    %not3A_145 = arith.xori %eq3A_133, %not3A_144 : vector<16xi1>
    %not3A_146 = arith.constant dense<true> : vector<16xi1>
    %not3A_147 = arith.xori %eq3A_136, %not3A_146 : vector<16xi1>
    %and3A_148 = arith.andi %not3A_145, %not3A_147 : vector<16xi1>
    %eq3A_149 = arith.cmpi eq, %gather3A_130, %select_n3A : vector<16xi32>
    %and3A_150 = arith.andi %and3A_148, %eq3A_149 : vector<16xi1>
    %or3A_151 = arith.ori %or3A, %and3A_150 : vector<16xi1>
    %select_n3A_152 = arith.select %eq3A_136, %and3A_122, %and3A_128 : vector<16xi1>, vector<16xi32>
    %select_n3A_153 = arith.select %eq3A_133, %and3A_116, %select_n3A_152 : vector<16xi1>, vector<16xi32>
    %not3A_154 = arith.constant dense<true> : vector<16xi1>
    %not3A_155 = arith.xori %or3A_151, %not3A_154 : vector<16xi1>
    %and3A_156 = arith.andi %broadcast_in_dim3A_109, %not3A_155 : vector<16xi1>
    %or3A_157 = arith.ori %eq3A_133, %eq3A_136 : vector<16xi1>
    %or3A_158 = arith.ori %or3A_157, %eq3A_139 : vector<16xi1>
    %and3A_159 = arith.andi %and3A_156, %or3A_158 : vector<16xi1>
    tpu.vector_store_idx %arg6[%select_n3A_153], %select_n3A masked %and3A_159 : memref<16384xi32, #tpu.memory_space<vmem>>[vector<16xi32>], vector<16xi32>, vector<16xi1>
    %gather3A_160 = tpu.vector_load_idx %arg6[%select_n3A_153] : memref<16384xi32, #tpu.memory_space<vmem>>[vector<16xi32>], vector<16xi32>,
    %eq3A_161 = arith.cmpi eq, %gather3A_160, %select_n3A : vector<16xi32>
    %and3A_162 = arith.andi %and3A_159, %eq3A_161 : vector<16xi1>
    %or3A_163 = arith.ori %or3A_151, %and3A_162 : vector<16xi1>
    %and3A_164 = arith.andi %and3A_159, %eq3A_161 : vector<16xi1>
    %and3A_165 = arith.andi %and3A_164, %eq3A_104 : vector<16xi1>
    %jit3A = arith.constant 1 : i32
    %jit3A_166 = arith.constant 0 : i32
    %broadcast_in_dim3A_167 = vector.broadcast %jit3A : i32 to vector<16xi32>
    %broadcast_in_dim3A_168 = vector.broadcast %jit3A_166 : i32 to vector<16xi32>
    %select_n3A_169 = arith.select %and3A_165, %broadcast_in_dim3A_167, %broadcast_in_dim3A_168 : vector<16xi1>, vector<16xi32>
    %add3A_170 = arith.addi %scan3A_61, %select_n3A_169 : vector<16xi32>
    %not3A_171 = arith.constant dense<true> : vector<16xi1>
    %not3A_172 = arith.xori %or3A_163, %not3A_171 : vector<16xi1>
    %and3A_173 = arith.andi %broadcast_in_dim3A_109, %not3A_172 : vector<16xi1>
    %not3A_174 = arith.constant dense<true> : vector<16xi1>
    %not3A_175 = arith.xori %eq3A_161, %not3A_174 : vector<16xi1>
    %and3A_176 = arith.andi %and3A_159, %not3A_175 : vector<16xi1>
    %add3A_177 = arith.constant 3 : i32
    %add3A_178 = vector.broadcast %add3A_177 : i32 to vector<16xi32>
    %add3A_179 = arith.addi %and3A_116, %add3A_178 : vector<16xi32>
    %and3A_180 = arith.constant 16383 : i32
    %and3A_181 = vector.broadcast %and3A_180 : i32 to vector<16xi32>
    %and3A_182 = arith.andi %add3A_179, %and3A_181 : vector<16xi32>
    %select_n3A_183 = arith.select %and3A_176, %select_n3A_153, %and3A_182 : vector<16xi1>, vector<16xi32>
    %mul3A_184 = arith.constant -1640531527 : i32
    %mul3A_185 = vector.broadcast %mul3A_184 : i32 to vector<16xi32>
    %mul3A_186 = arith.muli %select_n3A_95, %mul3A_185 : vector<16xi32>
    %shift_right_logical3A_187 = arith.constant 17 : i32
    %shift_right_logical3A_188 = vector.broadcast %shift_right_logical3A_187 : i32 to vector<16xi32>
    %shift_right_logical3A_189 = arith.shrui %mul3A_186, %shift_right_logical3A_188 : vector<16xi32>
    %and3A_190 = arith.constant 16383 : i32
    %and3A_191 = vector.broadcast %and3A_190 : i32 to vector<16xi32>
    %and3A_192 = arith.andi %shift_right_logical3A_189, %and3A_191 : vector<16xi32>
    %add3A_193 = arith.constant 1 : i32
    %add3A_194 = vector.broadcast %add3A_193 : i32 to vector<16xi32>
    %add3A_195 = arith.addi %and3A_192, %add3A_194 : vector<16xi32>
    %and3A_196 = arith.constant 16383 : i32
    %and3A_197 = vector.broadcast %and3A_196 : i32 to vector<16xi32>
    %and3A_198 = arith.andi %add3A_195, %and3A_197 : vector<16xi32>
    %add3A_199 = arith.constant 2 : i32
    %add3A_200 = vector.broadcast %add3A_199 : i32 to vector<16xi32>
    %add3A_201 = arith.addi %and3A_192, %add3A_200 : vector<16xi32>
    %and3A_202 = arith.constant 16383 : i32
    %and3A_203 = vector.broadcast %and3A_202 : i32 to vector<16xi32>
    %and3A_204 = arith.andi %add3A_201, %and3A_203 : vector<16xi32>
    %gather3A_205 = tpu.vector_load_idx %arg7[%and3A_192] : memref<16384xi32, #tpu.memory_space<vmem>>[vector<16xi32>], vector<16xi32>,
    %gather3A_206 = tpu.vector_load_idx %arg7[%and3A_198] : memref<16384xi32, #tpu.memory_space<vmem>>[vector<16xi32>], vector<16xi32>,
    %gather3A_207 = tpu.vector_load_idx %arg7[%and3A_204] : memref<16384xi32, #tpu.memory_space<vmem>>[vector<16xi32>], vector<16xi32>,
    %eq3A_208 = arith.constant -1 : i32
    %eq3A_209 = vector.broadcast %eq3A_208 : i32 to vector<16xi32>
    %eq3A_210 = arith.cmpi eq, %gather3A_205, %eq3A_209 : vector<16xi32>
    %eq3A_211 = arith.constant -1 : i32
    %eq3A_212 = vector.broadcast %eq3A_211 : i32 to vector<16xi32>
    %eq3A_213 = arith.cmpi eq, %gather3A_206, %eq3A_212 : vector<16xi32>
    %eq3A_214 = arith.constant -1 : i32
    %eq3A_215 = vector.broadcast %eq3A_214 : i32 to vector<16xi32>
    %eq3A_216 = arith.cmpi eq, %gather3A_207, %eq3A_215 : vector<16xi32>
    %eq3A_217 = arith.cmpi eq, %gather3A_205, %select_n3A_95 : vector<16xi32>
    %not3A_218 = arith.constant dense<true> : vector<16xi1>
    %not3A_219 = arith.xori %eq3A_210, %not3A_218 : vector<16xi1>
    %eq3A_220 = arith.cmpi eq, %gather3A_206, %select_n3A_95 : vector<16xi32>
    %and3A_221 = arith.andi %not3A_219, %eq3A_220 : vector<16xi1>
    %or3A_222 = arith.ori %eq3A_217, %and3A_221 : vector<16xi1>
    %not3A_223 = arith.constant dense<true> : vector<16xi1>
    %not3A_224 = arith.xori %eq3A_210, %not3A_223 : vector<16xi1>
    %not3A_225 = arith.constant dense<true> : vector<16xi1>
    %not3A_226 = arith.xori %eq3A_213, %not3A_225 : vector<16xi1>
    %and3A_227 = arith.andi %not3A_224, %not3A_226 : vector<16xi1>
    %eq3A_228 = arith.cmpi eq, %gather3A_207, %select_n3A_95 : vector<16xi32>
    %and3A_229 = arith.andi %and3A_227, %eq3A_228 : vector<16xi1>
    %or3A_230 = arith.ori %or3A_222, %and3A_229 : vector<16xi1>
    %select_n3A_231 = arith.select %eq3A_213, %and3A_198, %and3A_204 : vector<16xi1>, vector<16xi32>
    %select_n3A_232 = arith.select %eq3A_210, %and3A_192, %select_n3A_231 : vector<16xi1>, vector<16xi32>
    %not3A_233 = arith.constant dense<true> : vector<16xi1>
    %not3A_234 = arith.xori %or3A_230, %not3A_233 : vector<16xi1>
    %and3A_235 = arith.andi %broadcast_in_dim3A_109, %not3A_234 : vector<16xi1>
    %or3A_236 = arith.ori %eq3A_210, %eq3A_213 : vector<16xi1>
    %or3A_237 = arith.ori %or3A_236, %eq3A_216 : vector<16xi1>
    %and3A_238 = arith.andi %and3A_235, %or3A_237 : vector<16xi1>
    tpu.vector_store_idx %arg7[%select_n3A_232], %select_n3A_95 masked %and3A_238 : memref<16384xi32, #tpu.memory_space<vmem>>[vector<16xi32>], vector<16xi32>, vector<16xi1>
    %gather3A_239 = tpu.vector_load_idx %arg7[%select_n3A_232] : memref<16384xi32, #tpu.memory_space<vmem>>[vector<16xi32>], vector<16xi32>,
    %eq3A_240 = arith.cmpi eq, %gather3A_239, %select_n3A_95 : vector<16xi32>
    %and3A_241 = arith.andi %and3A_238, %eq3A_240 : vector<16xi1>
    %or3A_242 = arith.ori %or3A_230, %and3A_241 : vector<16xi1>
    %and3A_243 = arith.andi %and3A_238, %eq3A_240 : vector<16xi1>
    %and3A_244 = arith.andi %and3A_243, %eq3A_107 : vector<16xi1>
    %jit3A_245 = arith.constant 1 : i32
    %jit3A_246 = arith.constant 0 : i32
    %broadcast_in_dim3A_247 = vector.broadcast %jit3A_245 : i32 to vector<16xi32>
    %broadcast_in_dim3A_248 = vector.broadcast %jit3A_246 : i32 to vector<16xi32>
    %select_n3A_249 = arith.select %and3A_244, %broadcast_in_dim3A_247, %broadcast_in_dim3A_248 : vector<16xi1>, vector<16xi32>
    %add3A_250 = arith.addi %add3A_170, %select_n3A_249 : vector<16xi32>
    %not3A_251 = arith.constant dense<true> : vector<16xi1>
    %not3A_252 = arith.xori %or3A_242, %not3A_251 : vector<16xi1>
    %and3A_253 = arith.andi %broadcast_in_dim3A_109, %not3A_252 : vector<16xi1>
    %not3A_254 = arith.constant dense<true> : vector<16xi1>
    %not3A_255 = arith.xori %eq3A_240, %not3A_254 : vector<16xi1>
    %and3A_256 = arith.andi %and3A_238, %not3A_255 : vector<16xi1>
    %add3A_257 = arith.constant 3 : i32
    %add3A_258 = vector.broadcast %add3A_257 : i32 to vector<16xi32>
    %add3A_259 = arith.addi %and3A_192, %add3A_258 : vector<16xi32>
    %and3A_260 = arith.constant 16383 : i32
    %and3A_261 = vector.broadcast %and3A_260 : i32 to vector<16xi32>
    %and3A_262 = arith.andi %add3A_259, %and3A_261 : vector<16xi32>
    %select_n3A_263 = arith.select %and3A_256, %select_n3A_232, %and3A_262 : vector<16xi1>, vector<16xi32>
    %while3A:5 = scf.while (%while3A_266 = %select_n3A_183, %while3A_267 = %and3A_173, %while3A_268 = %select_n3A_263, %while3A_269 = %and3A_253, %while3A_270 = %add3A_250) : (vector<16xi32>, vector<16xi1>, vector<16xi32>, vector<16xi1>, vector<16xi32>) -> (vector<16xi32>, vector<16xi1>, vector<16xi32>, vector<16xi1>, vector<16xi32>) {
      %or3A_271 = arith.ori %while3A_267, %while3A_269 : vector<16xi1>
      %all_reduce_population_count3A = tpu.all_reduce %or3A_271 {dim = 0 : i64, kind = #tpu.reduction_kind<sum>} : vector<16xi1> -> vector<16xi32>
      %slice3A = vector.extract_strided_slice %all_reduce_population_count3A {offsets = [0], sizes = [1], strides = [1]} : vector<16xi32> to vector<1xi32>
      %squeeze3A = vector.extract %slice3A[0] : i32 from vector<1xi32>
      %gt3A = arith.constant 0 : i32
      %gt3A_272 = arith.cmpi sgt, %squeeze3A, %gt3A : i32
      scf.condition(%gt3A_272) %while3A_266, %while3A_267, %while3A_268, %while3A_269, %while3A_270 : vector<16xi32>, vector<16xi1>, vector<16xi32>, vector<16xi1>, vector<16xi32>
    } do {
    ^bb0(%while3A_266: vector<16xi32>, %while3A_267: vector<16xi1>, %while3A_268: vector<16xi32>, %while3A_269: vector<16xi1>, %while3A_270: vector<16xi32>):
      %add3A_271 = arith.constant 1 : i32
      %add3A_272 = vector.broadcast %add3A_271 : i32 to vector<16xi32>
      %add3A_273 = arith.addi %while3A_266, %add3A_272 : vector<16xi32>
      %and3A_274 = arith.constant 16383 : i32
      %and3A_275 = vector.broadcast %and3A_274 : i32 to vector<16xi32>
      %and3A_276 = arith.andi %add3A_273, %and3A_275 : vector<16xi32>
      %add3A_277 = arith.constant 2 : i32
      %add3A_278 = vector.broadcast %add3A_277 : i32 to vector<16xi32>
      %add3A_279 = arith.addi %while3A_266, %add3A_278 : vector<16xi32>
      %and3A_280 = arith.constant 16383 : i32
      %and3A_281 = vector.broadcast %and3A_280 : i32 to vector<16xi32>
      %and3A_282 = arith.andi %add3A_279, %and3A_281 : vector<16xi32>
      %gather3A_283 = tpu.vector_load_idx %arg6[%while3A_266] : memref<16384xi32, #tpu.memory_space<vmem>>[vector<16xi32>], vector<16xi32>,
      %gather3A_284 = tpu.vector_load_idx %arg6[%and3A_276] : memref<16384xi32, #tpu.memory_space<vmem>>[vector<16xi32>], vector<16xi32>,
      %gather3A_285 = tpu.vector_load_idx %arg6[%and3A_282] : memref<16384xi32, #tpu.memory_space<vmem>>[vector<16xi32>], vector<16xi32>,
      %eq3A_286 = arith.constant -1 : i32
      %eq3A_287 = vector.broadcast %eq3A_286 : i32 to vector<16xi32>
      %eq3A_288 = arith.cmpi eq, %gather3A_283, %eq3A_287 : vector<16xi32>
      %eq3A_289 = arith.constant -1 : i32
      %eq3A_290 = vector.broadcast %eq3A_289 : i32 to vector<16xi32>
      %eq3A_291 = arith.cmpi eq, %gather3A_284, %eq3A_290 : vector<16xi32>
      %eq3A_292 = arith.constant -1 : i32
      %eq3A_293 = vector.broadcast %eq3A_292 : i32 to vector<16xi32>
      %eq3A_294 = arith.cmpi eq, %gather3A_285, %eq3A_293 : vector<16xi32>
      %eq3A_295 = arith.cmpi eq, %gather3A_283, %select_n3A : vector<16xi32>
      %not3A_296 = arith.constant dense<true> : vector<16xi1>
      %not3A_297 = arith.xori %eq3A_288, %not3A_296 : vector<16xi1>
      %eq3A_298 = arith.cmpi eq, %gather3A_284, %select_n3A : vector<16xi32>
      %and3A_299 = arith.andi %not3A_297, %eq3A_298 : vector<16xi1>
      %or3A_300 = arith.ori %eq3A_295, %and3A_299 : vector<16xi1>
      %not3A_301 = arith.constant dense<true> : vector<16xi1>
      %not3A_302 = arith.xori %eq3A_288, %not3A_301 : vector<16xi1>
      %not3A_303 = arith.constant dense<true> : vector<16xi1>
      %not3A_304 = arith.xori %eq3A_291, %not3A_303 : vector<16xi1>
      %and3A_305 = arith.andi %not3A_302, %not3A_304 : vector<16xi1>
      %eq3A_306 = arith.cmpi eq, %gather3A_285, %select_n3A : vector<16xi32>
      %and3A_307 = arith.andi %and3A_305, %eq3A_306 : vector<16xi1>
      %or3A_308 = arith.ori %or3A_300, %and3A_307 : vector<16xi1>
      %select_n3A_309 = arith.select %eq3A_291, %and3A_276, %and3A_282 : vector<16xi1>, vector<16xi32>
      %select_n3A_310 = arith.select %eq3A_288, %while3A_266, %select_n3A_309 : vector<16xi1>, vector<16xi32>
      %not3A_311 = arith.constant dense<true> : vector<16xi1>
      %not3A_312 = arith.xori %or3A_308, %not3A_311 : vector<16xi1>
      %and3A_313 = arith.andi %while3A_267, %not3A_312 : vector<16xi1>
      %or3A_314 = arith.ori %eq3A_288, %eq3A_291 : vector<16xi1>
      %or3A_315 = arith.ori %or3A_314, %eq3A_294 : vector<16xi1>
      %and3A_316 = arith.andi %and3A_313, %or3A_315 : vector<16xi1>
      tpu.vector_store_idx %arg6[%select_n3A_310], %select_n3A masked %and3A_316 : memref<16384xi32, #tpu.memory_space<vmem>>[vector<16xi32>], vector<16xi32>, vector<16xi1>
      %gather3A_317 = tpu.vector_load_idx %arg6[%select_n3A_310] : memref<16384xi32, #tpu.memory_space<vmem>>[vector<16xi32>], vector<16xi32>,
      %eq3A_318 = arith.cmpi eq, %gather3A_317, %select_n3A : vector<16xi32>
      %and3A_319 = arith.andi %and3A_316, %eq3A_318 : vector<16xi1>
      %or3A_320 = arith.ori %or3A_308, %and3A_319 : vector<16xi1>
      %and3A_321 = arith.andi %and3A_316, %eq3A_318 : vector<16xi1>
      %and3A_322 = arith.andi %and3A_321, %eq3A_104 : vector<16xi1>
      %jit3A_323 = arith.constant 1 : i32
      %jit3A_324 = arith.constant 0 : i32
      %broadcast_in_dim3A_325 = vector.broadcast %jit3A_323 : i32 to vector<16xi32>
      %broadcast_in_dim3A_326 = vector.broadcast %jit3A_324 : i32 to vector<16xi32>
      %select_n3A_327 = arith.select %and3A_322, %broadcast_in_dim3A_325, %broadcast_in_dim3A_326 : vector<16xi1>, vector<16xi32>
      %add3A_328 = arith.addi %while3A_270, %select_n3A_327 : vector<16xi32>
      %not3A_329 = arith.constant dense<true> : vector<16xi1>
      %not3A_330 = arith.xori %or3A_320, %not3A_329 : vector<16xi1>
      %and3A_331 = arith.andi %while3A_267, %not3A_330 : vector<16xi1>
      %not3A_332 = arith.constant dense<true> : vector<16xi1>
      %not3A_333 = arith.xori %eq3A_318, %not3A_332 : vector<16xi1>
      %and3A_334 = arith.andi %and3A_316, %not3A_333 : vector<16xi1>
      %add3A_335 = arith.constant 3 : i32
      %add3A_336 = vector.broadcast %add3A_335 : i32 to vector<16xi32>
      %add3A_337 = arith.addi %while3A_266, %add3A_336 : vector<16xi32>
      %and3A_338 = arith.constant 16383 : i32
      %and3A_339 = vector.broadcast %and3A_338 : i32 to vector<16xi32>
      %and3A_340 = arith.andi %add3A_337, %and3A_339 : vector<16xi32>
      %select_n3A_341 = arith.select %and3A_334, %select_n3A_310, %and3A_340 : vector<16xi1>, vector<16xi32>
      %add3A_342 = arith.constant 1 : i32
      %add3A_343 = vector.broadcast %add3A_342 : i32 to vector<16xi32>
      %add3A_344 = arith.addi %while3A_268, %add3A_343 : vector<16xi32>
      %and3A_345 = arith.constant 16383 : i32
      %and3A_346 = vector.broadcast %and3A_345 : i32 to vector<16xi32>
      %and3A_347 = arith.andi %add3A_344, %and3A_346 : vector<16xi32>
      %add3A_348 = arith.constant 2 : i32
      %add3A_349 = vector.broadcast %add3A_348 : i32 to vector<16xi32>
      %add3A_350 = arith.addi %while3A_268, %add3A_349 : vector<16xi32>
      %and3A_351 = arith.constant 16383 : i32
      %and3A_352 = vector.broadcast %and3A_351 : i32 to vector<16xi32>
      %and3A_353 = arith.andi %add3A_350, %and3A_352 : vector<16xi32>
      %gather3A_354 = tpu.vector_load_idx %arg7[%while3A_268] : memref<16384xi32, #tpu.memory_space<vmem>>[vector<16xi32>], vector<16xi32>,
      %gather3A_355 = tpu.vector_load_idx %arg7[%and3A_347] : memref<16384xi32, #tpu.memory_space<vmem>>[vector<16xi32>], vector<16xi32>,
      %gather3A_356 = tpu.vector_load_idx %arg7[%and3A_353] : memref<16384xi32, #tpu.memory_space<vmem>>[vector<16xi32>], vector<16xi32>,
      %eq3A_357 = arith.constant -1 : i32
      %eq3A_358 = vector.broadcast %eq3A_357 : i32 to vector<16xi32>
      %eq3A_359 = arith.cmpi eq, %gather3A_354, %eq3A_358 : vector<16xi32>
      %eq3A_360 = arith.constant -1 : i32
      %eq3A_361 = vector.broadcast %eq3A_360 : i32 to vector<16xi32>
      %eq3A_362 = arith.cmpi eq, %gather3A_355, %eq3A_361 : vector<16xi32>
      %eq3A_363 = arith.constant -1 : i32
      %eq3A_364 = vector.broadcast %eq3A_363 : i32 to vector<16xi32>
      %eq3A_365 = arith.cmpi eq, %gather3A_356, %eq3A_364 : vector<16xi32>
      %eq3A_366 = arith.cmpi eq, %gather3A_354, %select_n3A_95 : vector<16xi32>
      %not3A_367 = arith.constant dense<true> : vector<16xi1>
      %not3A_368 = arith.xori %eq3A_359, %not3A_367 : vector<16xi1>
      %eq3A_369 = arith.cmpi eq, %gather3A_355, %select_n3A_95 : vector<16xi32>
      %and3A_370 = arith.andi %not3A_368, %eq3A_369 : vector<16xi1>
      %or3A_371 = arith.ori %eq3A_366, %and3A_370 : vector<16xi1>
      %not3A_372 = arith.constant dense<true> : vector<16xi1>
      %not3A_373 = arith.xori %eq3A_359, %not3A_372 : vector<16xi1>
      %not3A_374 = arith.constant dense<true> : vector<16xi1>
      %not3A_375 = arith.xori %eq3A_362, %not3A_374 : vector<16xi1>
      %and3A_376 = arith.andi %not3A_373, %not3A_375 : vector<16xi1>
      %eq3A_377 = arith.cmpi eq, %gather3A_356, %select_n3A_95 : vector<16xi32>
      %and3A_378 = arith.andi %and3A_376, %eq3A_377 : vector<16xi1>
      %or3A_379 = arith.ori %or3A_371, %and3A_378 : vector<16xi1>
      %select_n3A_380 = arith.select %eq3A_362, %and3A_347, %and3A_353 : vector<16xi1>, vector<16xi32>
      %select_n3A_381 = arith.select %eq3A_359, %while3A_268, %select_n3A_380 : vector<16xi1>, vector<16xi32>
      %not3A_382 = arith.constant dense<true> : vector<16xi1>
      %not3A_383 = arith.xori %or3A_379, %not3A_382 : vector<16xi1>
      %and3A_384 = arith.andi %while3A_269, %not3A_383 : vector<16xi1>
      %or3A_385 = arith.ori %eq3A_359, %eq3A_362 : vector<16xi1>
      %or3A_386 = arith.ori %or3A_385, %eq3A_365 : vector<16xi1>
      %and3A_387 = arith.andi %and3A_384, %or3A_386 : vector<16xi1>
      tpu.vector_store_idx %arg7[%select_n3A_381], %select_n3A_95 masked %and3A_387 : memref<16384xi32, #tpu.memory_space<vmem>>[vector<16xi32>], vector<16xi32>, vector<16xi1>
      %gather3A_388 = tpu.vector_load_idx %arg7[%select_n3A_381] : memref<16384xi32, #tpu.memory_space<vmem>>[vector<16xi32>], vector<16xi32>,
      %eq3A_389 = arith.cmpi eq, %gather3A_388, %select_n3A_95 : vector<16xi32>
      %and3A_390 = arith.andi %and3A_387, %eq3A_389 : vector<16xi1>
      %or3A_391 = arith.ori %or3A_379, %and3A_390 : vector<16xi1>
      %and3A_392 = arith.andi %and3A_387, %eq3A_389 : vector<16xi1>
      %and3A_393 = arith.andi %and3A_392, %eq3A_107 : vector<16xi1>
      %jit3A_394 = arith.constant 1 : i32
      %jit3A_395 = arith.constant 0 : i32
      %broadcast_in_dim3A_396 = vector.broadcast %jit3A_394 : i32 to vector<16xi32>
      %broadcast_in_dim3A_397 = vector.broadcast %jit3A_395 : i32 to vector<16xi32>
      %select_n3A_398 = arith.select %and3A_393, %broadcast_in_dim3A_396, %broadcast_in_dim3A_397 : vector<16xi1>, vector<16xi32>
      %add3A_399 = arith.addi %add3A_328, %select_n3A_398 : vector<16xi32>
      %not3A_400 = arith.constant dense<true> : vector<16xi1>
      %not3A_401 = arith.xori %or3A_391, %not3A_400 : vector<16xi1>
      %and3A_402 = arith.andi %while3A_269, %not3A_401 : vector<16xi1>
      %not3A_403 = arith.constant dense<true> : vector<16xi1>
      %not3A_404 = arith.xori %eq3A_389, %not3A_403 : vector<16xi1>
      %and3A_405 = arith.andi %and3A_387, %not3A_404 : vector<16xi1>
      %add3A_406 = arith.constant 3 : i32
      %add3A_407 = vector.broadcast %add3A_406 : i32 to vector<16xi32>
      %add3A_408 = arith.addi %while3A_268, %add3A_407 : vector<16xi32>
      %and3A_409 = arith.constant 16383 : i32
      %and3A_410 = vector.broadcast %and3A_409 : i32 to vector<16xi32>
      %and3A_411 = arith.andi %add3A_408, %and3A_410 : vector<16xi32>
      %select_n3A_412 = arith.select %and3A_405, %select_n3A_381, %and3A_411 : vector<16xi1>, vector<16xi32>
      scf.yield %select_n3A_341, %and3A_331, %select_n3A_412, %and3A_402, %add3A_399 : vector<16xi32>, vector<16xi1>, vector<16xi32>, vector<16xi1>, vector<16xi32>
    }
    %swap3A_264 = arith.constant 0 : index
    %swap3A_265 = tpu.vector_load %arg8[%swap3A_264] {strides = array<i32>} : memref<16xi32, #tpu.memory_space<vmem>>, vector<16xi32>,
    tpu.vector_store %arg8[%swap3A_264], %while3A#4 {strides = array<i32>} : memref<16xi32, #tpu.memory_space<vmem>>, vector<16xi32>,
    "tpu.region"() ({
      %run_scoped3A = tpu.sem_alloc : memref<!tpu.dma_semaphore, #tpu.memory_space<semaphore_mem>>
      %dma_start3A_266 = arith.constant 0 : i32
      %dma_start3A_267 = tpu.memref_slice %arg3[%add3A, %dma_start3A_266] : memref<32x16xi32, #tpu.memory_space<hbm>> -> memref<1x16xi32, #tpu.memory_space<hbm>>
      %dma_start3A_268 = tpu.memref_squeeze %dma_start3A_267 : memref<1x16xi32, #tpu.memory_space<hbm>> -> memref<16xi32, #tpu.memory_space<hbm>>
      %dma_start3A_269 = arith.constant 0 : i32
      %dma_start3A_270 = tpu.memref_slice %arg3[%add3A, %dma_start3A_269] : memref<32x16xi32, #tpu.memory_space<hbm>> -> memref<1x16xi32, #tpu.memory_space<hbm>>
      %dma_start3A_271 = tpu.memref_squeeze %dma_start3A_270 : memref<1x16xi32, #tpu.memory_space<hbm>> -> memref<16xi32, #tpu.memory_space<hbm>>
      tpu.enqueue_dma source(%arg8 : memref<16xi32, #tpu.memory_space<vmem>>) target(%dma_start3A_271 : memref<16xi32, #tpu.memory_space<hbm>>) target_semaphore(%run_scoped3A : memref<!tpu.dma_semaphore, #tpu.memory_space<semaphore_mem>>)
      %dma_wait3A_272 = arith.constant 0 : i32
      %dma_wait3A_273 = tpu.memref_slice %arg3[%add3A, %dma_wait3A_272] : memref<32x16xi32, #tpu.memory_space<hbm>> -> memref<1x16xi32, #tpu.memory_space<hbm>>
      %dma_wait3A_274 = tpu.memref_squeeze %dma_wait3A_273 : memref<1x16xi32, #tpu.memory_space<hbm>> -> memref<16xi32, #tpu.memory_space<hbm>>
      %dma_wait3A_275 = arith.constant 0 : i32
      %dma_wait3A_276 = tpu.memref_slice %arg3[%add3A, %dma_wait3A_275] : memref<32x16xi32, #tpu.memory_space<hbm>> -> memref<1x16xi32, #tpu.memory_space<hbm>>
      %dma_wait3A_277 = tpu.memref_squeeze %dma_wait3A_276 : memref<1x16xi32, #tpu.memory_space<hbm>> -> memref<16xi32, #tpu.memory_space<hbm>>
      tpu.wait_dma2 semaphore(%run_scoped3A : memref<!tpu.dma_semaphore, #tpu.memory_space<semaphore_mem>>) src(%arg8 : memref<16xi32, #tpu.memory_space<vmem>>) dst(%dma_wait3A_277 : memref<16xi32, #tpu.memory_space<hbm>>)
      tpu.yield
    }) : () -> ()
    return
  }
}

module attributes {stable_mosaic.version = 14 : i64} {
  func.func @_tc_mean_body(%arg0: memref<32x16xi32, #tpu.memory_space<vmem>>, %arg1: memref<1x1xf32, #tpu.memory_space<vmem>>) attributes {dimension_semantics = [], scalar_prefetch = 0 : i64, scratch_operands = 0 : i64, tpu.core_type = #tpu.core_type<tc>} {
    %get3A = arith.constant 0 : index
    %get3A_0 = arith.constant 0 : index
    %get3A_1 = vector.load %arg0[%get3A, %get3A_0] : memref<32x16xi32, #tpu.memory_space<vmem>>, vector<32x16xi32>
    %convert_element_type3A = arith.sitofp %get3A_1 : vector<32x16xi32> to vector<32x16xf32>
    %reduce_sum3A = vector.shape_cast %convert_element_type3A : vector<32x16xf32> to vector<1x32x16xf32>
    %reduce_sum3A_2 = arith.constant dense<0.000000e+00> : vector<1xf32>
    %reduce_sum3A_3 = vector.multi_reduction <add>, %reduce_sum3A, %reduce_sum3A_2 [1, 2] : vector<1x32x16xf32> to vector<1xf32>
    %reduce_sum3A_4 = vector.shape_cast %reduce_sum3A_3 : vector<1xf32> to vector<1x1x1xf32>
    %reduce_sum3A_5 = vector.extract %reduce_sum3A_4[0, 0, 0] : f32 from vector<1x1x1xf32>
    %sub3A = arith.constant 1.280000e+02 : f32
    %sub3A_6 = arith.subf %reduce_sum3A_5, %sub3A : f32
    %mul3A = arith.constant 7.63685239E-6 : f32
    %mul3A_7 = arith.mulf %sub3A_6, %mul3A : f32
    %sub3A_8 = arith.constant 1.000000e+00 : f32
    %sub3A_9 = arith.subf %sub3A_8, %mul3A_7 : f32
    %broadcast_in_dim3A = vector.broadcast %sub3A_9 : f32 to vector<1x1xf32>
    %swap3A = arith.constant 0 : index
    %swap3A_10 = arith.constant 0 : index
    %swap3A_11 = vector.load %arg1[%swap3A, %swap3A_10] : memref<1x1xf32, #tpu.memory_space<vmem>>, vector<1x1xf32>
    tpu.vector_store %arg1[%swap3A, %swap3A_10], %broadcast_in_dim3A {strides = array<i32>} : memref<1x1xf32, #tpu.memory_space<vmem>>, vector<1x1xf32>,
    return
  }
}

</mosaic_0001>

<sc_bundles>
// kernel: kernel.4.cloned.1.call-start
scs
__scs_entry_jumppad:
0x0: {  	(pc) =	sbr.rel $0x88, $3  }
0x1: {  	(tag) =	ssettag $0x0;
	lr =	simm.s32 $0x1  }
0x2: {  	[smem:$0x3FA0] =	sst lr;
	_ =	strace $0xD0000000  }
0x3: {  	_ = 	snop  }
0x4: {  	_ = 	snop  }
0x5: {  	_ = 	snop  }
0x6: {  	_ = 	snop  }
0x7: {  	_ = 	snop  }
__scs_overlays_trampoline_lowered:
0x8: {  	[smem:$0x3FAF] =	sst s0  }
0x9: {  	[smem:$0x3FB0] =	sst s1  }
0xa: {  	[smem:$0x3FB1] =	sst s2  }
0xb: {  	[smem:$0x3FB2] =	sst s3  }
0xc: {  	[smem:$0x3FB3] =	sst s4  }
0xd: {  	[smem:$0x3FB4] =	sst s5  }
0xe: {  	[smem:$0x3FB5] =	sst s6  }
0xf: {  	[smem:$0x3FB6] =	sst s7  }
0x10: {  	[smem:$0x3FB7] =	sst s8  }
0x11: {  	[smem:$0x3FB8] =	sst s9;
	s0 =	simm.s32 @!p0 $0x0  }
0x12: {  	s1 =	sld [smem:$0x3F9E];
	s0 =	simm.s32 @p0 $0x1  }
0x13: {  	[smem:$0x3FB9] =	sst s0;
	s0 =	simm.s32 @!p1 $0x0  }
0x14: {  	s2 =	sld [smem:$0x3F9D];
	s0 =	simm.s32 @p1 $0x1  }
0x15: {  	[smem:$0x3FBA] =	sst s0;
	s0 =	simm.s32 @!p2 $0x0  }
0x16: {  	s3 =	sld [smem:$0x3FDB];
	s0 =	simm.s32 @p2 $0x1  }
0x17: {  	s4 =	simm.s32 $0x1BF5;
	[smem:$0x3FBC] =	sst s0  }
0x18: {  	s0 =	sld [smem:$0x3F9F];
	_ =	swait.ge [sflag:s4], $0x0  }
0x19: {  	s7 =	sld [smem:$0x3FA0]  }
0x1a: {  	s8 =	sadd.s32 $0xFFFFE003, lr  }
0x1b: {  	s9 =	sadd.s32 $0xFFFFFEF7, lr;
	s5 =	simm.s32 $0xFFFFFFFF;
	p2 =	slt.u32 s8, $0xFFFFF086  }
0x1c: {  	p1 =	slt.u32 s9, $0xF7A;
	s5 =	simm.s32 @!p2 $0x0  }
0x1d: {  	s5 =	simm.s32 @p1 $0x1;
	p0 =	seq.s32 s7, s2  }
0x1e: {  	s7 =	smul.u32 @!p0 $0xF7A, s2;
	p2 =	seq.s32 @!p0 s5, $0x0  }
0x1f: {  	s9 =	smul.u32 $0xF7A, s1;
	s8 =	simm.s32 @!p0 $0x1BF5;
	p2 =	por !p2, p0  }
0x20: {  	[sflag:s8] =	ssyncset.s32 @!p0 $0xFFFFF086;
	s6 =	sadd.s32 @!p0 s3, s7;
	s7 =	simm.s32 @!p0 $0x108  }
0x21: {  	s3 =	sadd.s32 s3, s9;
	s6 =	sadd.s32 @!p0 $0x88, s6;
	s7 =	simm.s32 @p2 $0x1082  }
0x22: {  	[simem:s7], [sflag:s8] =	dma.local @!p0 [hbm:s6], $0xF7A  }
0x23: {  	s9 =	sor.u32 $0xD0000000, s2;
	s6 =	simm.s32 $0x108;
	_ =	swait.ge @!p0 [sflag:s8], $0x0  }
0x24: {  	s3 =	sadd.s32 $0x88, s3;
	s6 =	simm.s32 @!p1 $0x1082;
	[sflag:s4] =	ssyncset.s32 $0xFFFFF086  }
0x25: {  	[simem:s6], [sflag:s4] =	dma.local [hbm:s3], $0xF7A  }
0x26: {  	[smem:$0x3FA0] =	sst s1;
	(tag) =	ssettag s2;
	_ =	strace s9  }
0x27: {  	s1 =	sld [smem:$0x3FB0]  }
0x28: {  	s2 =	sld [smem:$0x3FB1]  }
0x29: {  	s4 =	sld [smem:$0x3FB3]  }
0x2a: {  	p0 =	seq.s32 s5, $0x0;
	s5 =	sld [smem:$0x3FB4]  }
0x2b: {  	s6 =	sld [smem:$0x3FB5]  }
0x2c: {  	s7 =	sld [smem:$0x3FB6]  }
0x2d: {  	s3 =	simm.s32 $0x108;
	s8 =	sld [smem:$0x3FB7]  }
0x2e: {  	s3 =	simm.s32 @!p0 $0x1082;
	s9 =	sld [smem:$0x3FB8]  }
0x2f: {  	lr =	sadd.s32 s0, s3;
	s0 =	sld [smem:$0x3FAF]  }
0x30: {  	s3 =	sld [smem:$0x3FB2]  }
0x31: {  	[smem:$0x3FBB] =	sst s10  }
0x32: {  	s10 =	sld [smem:$0x3FB9];
	_ =	sdelay $0x3  }
0x33: {  	p0 =	seq.s32 s10, $0x1;
	s10 =	sld [smem:$0x3FBB];
	_ =	sdelay $0x3  }
0x34: {  	[smem:$0x3FBB] =	sst s10  }
0x35: {  	s10 =	sld [smem:$0x3FBA];
	_ =	sdelay $0x3  }
0x36: {  	p1 =	seq.s32 s10, $0x1;
	s10 =	sld [smem:$0x3FBB];
	_ =	sdelay $0x3  }
0x37: {  	[smem:$0x3FBB] =	sst s10  }
0x38: {  	s10 =	sld [smem:$0x3FBC]  }
0x39: {  	_ = 	snop;
	(pc) =	sbr.ind lr, $3  }
0x3a: {  	_ = 	snop  }
0x3b: {  	_ = 	snop  }
0x3c: {  	p2 =	seq.s32 s10, $0x1;
	s10 =	sld [smem:$0x3FBB]  }
0x3d: {  	_ =	shalt  }
0x3e: {  	_ =	shalt  }
0x3f: {  	_ =	shalt  }
0x40: {  	_ =	shalt  }
0x41: {  	_ =	shalt  }
0x42: {  	_ =	shalt  }
0x43: {  	_ =	shalt  }
0x44: {  	_ =	shalt  }
0x45: {  	_ =	shalt  }
0x46: {  	_ =	shalt  }
0x47: {  	_ =	shalt  }
0x48: {  	_ =	shalt  }
0x49: {  	_ =	shalt  }
0x4a: {  	_ =	shalt  }
0x4b: {  	_ =	shalt  }
0x4c: {  	_ =	shalt  }
0x4d: {  	_ =	shalt  }
0x4e: {  	_ =	shalt  }
0x4f: {  	_ =	shalt  }
0x50: {  	_ =	shalt  }
0x51: {  	_ =	shalt  }
0x52: {  	_ =	shalt  }
0x53: {  	_ =	shalt  }
0x54: {  	_ =	shalt  }
0x55: {  	_ =	shalt  }
0x56: {  	_ =	shalt  }
0x57: {  	_ =	shalt  }
0x58: {  	_ =	shalt  }
0x59: {  	_ =	shalt  }
0x5a: {  	_ =	shalt  }
0x5b: {  	_ =	shalt  }
0x5c: {  	_ =	shalt  }
0x5d: {  	_ =	shalt  }
0x5e: {  	_ =	shalt  }
0x5f: {  	_ =	shalt  }
0x60: {  	_ =	shalt  }
0x61: {  	_ =	shalt  }
0x62: {  	_ =	shalt  }
0x63: {  	_ =	shalt  }
0x64: {  	_ =	shalt  }
0x65: {  	_ =	shalt  }
0x66: {  	_ =	shalt  }
0x67: {  	_ =	shalt  }
0x68: {  	_ =	shalt  }
0x69: {  	_ =	shalt  }
0x6a: {  	_ =	shalt  }
0x6b: {  	_ =	shalt  }
0x6c: {  	_ =	shalt  }
0x6d: {  	_ =	shalt  }
0x6e: {  	_ =	shalt  }
0x6f: {  	_ =	shalt  }
0x70: {  	_ =	shalt  }
0x71: {  	_ =	shalt  }
0x72: {  	_ =	shalt  }
0x73: {  	_ =	shalt  }
0x74: {  	_ =	shalt  }
0x75: {  	_ =	shalt  }
0x76: {  	_ =	shalt  }
0x77: {  	_ =	shalt  }
0x78: {  	_ =	shalt  }
0x79: {  	_ =	shalt  }
0x7a: {  	_ =	shalt  }
0x7b: {  	_ =	shalt  }
0x7c: {  	_ =	shalt  }
0x7d: {  	_ =	shalt  }
0x7e: {  	_ =	shalt  }
0x7f: {  	_ =	shalt  }
0x80: {  	_ =	shalt  }
0x81: {  	_ =	shalt  }
0x82: {  	_ =	shalt  }
0x83: {  	_ =	shalt  }
0x84: {  	_ =	shalt  }
0x85: {  	_ =	shalt  }
0x86: {  	_ =	shalt  }
0x87: {  	_ =	shalt  }
.Lfunc_end0:
.L_simem_size_0:
called_computation_lowered:
.L_overlay_start_0:
0x88: {  	s2 =	sld [smem:$0x3FD9]  }
0x89: {  	s3 =	sld [smem:$0x3FFE];
	_ =	sdelay $0x1  }
0x8a: {  	s1 =	srdreg.scid  }
0x8b: {  	s0 =	sand.u32 $0x1, s1  }
0x8c: {  	s17 =	sshll.u32 s0, $0xA;
	s2 =	sadd.s32 s3, s2  }
0x8d: {  	s2 =	sadd.s32 s2, s17  }
0x8e: {  	[smem:$0x3FC7] =	sst s2  }
0x8f: {  	_ = 	snop  }
0x90: {  	s2 =	sld [smem:$0x3FC9];
	(tm) =	ssettm $0x1  }
0x91: {  	s18 =	sld [smem:$0x3FFB];
	_ =	sdelay $0x3  }
0x92: {  	_ =	strace s18  }
0x93: {  	s3 =	sld [smem:$0x3FFC];
	_ =	sdelay $0x3  }
0x94: {  	_ =	strace s3  }
0x95: {  	s3 =	sld [smem:$0x3FFD];
	_ =	sdelay $0x3  }
0x96: {  	_ =	strace s3  }
0x97: {  	_ =	strace $0x8FFFFFFF  }
0x98: {  	s19 =	sld [smem:$0x3FDB];
	_ =	sdelay $0x1  }
0x99: {  	s4 =	simm.s32 $_scs_section_size  }
0x9a: {  	s5 =	simm.s32 $_size__tile_overlayer_lowered;
	s6 =	simm.s32 $_tile_overlayer_lowered  }
0x9b: {  	s22 =	simm.s32 $0x1BFF;
	s21 =	sshll.u32 s6, $0x1;
	s3 =	sadd.s32 s4, s19  }
0x9c: {  	s7 =	simm.s32 $0x0;
	s20 =	sshll.u32 s5, $0x1;
	s5 =	sadd.s32 s21, s3  }
0x9d: {  	[timem:s7], [sflag:s22] =	dma.local [hbm:s5], s20  }
0x9e: {  	_ =	swait.ge [sflag:s22], s20  }
0x9f: {  	s4 =	ssub.s32 $0x0, s20;
	[sflag:s22] =	ssyncset.done $0x0  }
0xa0: {  	[sflag:s22] =	ssyncadd.s32 s4;
	_ =	sdelay $0x1  }
0xa1: {  	s23 =	simm.s32 $0x1B8B  }
0xa2: {  	_ =	swait.ge [sflag:s23], $0x1  }
0xa3: {  	[sflag:s23] =	ssyncset.done $0x0  }
0xa4: {  	s25 =	simm.s32 $0x1B8E;
	s24 =	sld [smem:$0x3FFE];
	[sflag:s23] =	ssyncadd.s32 $0xFFFFFFFF  }
0xa5: {  	s26 =	simm.s32 $execute0_lowered;
	[smem:$0x3FD2] =	sst s25  }
0xa6: {  	s5 =	sshll.u32 s26, $0x1;
	_ =	strace $0x80000046;
	[dreg:$0x1] =	wrdreg $0xFFFFFFFF  }
0xa7: {  	s28 =	simm.s32 $_size_execute0_lowered;
	s3 =	sadd.s32 s3, s5;
	[dreg:$0x0] =	wrdreg $0x0  }
0xa8: {  	s5 =	sshll.u32 s28, $0x1;
	[dreg:$0x2] =	wrdreg s3  }
0xa9: {  	[dreg:$0x3] =	wrdreg s5  }
0xaa: {  	[dreg:$0x4] =	wrdreg $0xC0  }
0xab: {  	_ =	task [dreg:s7], $0x5FFFF  }
0xac: {  	[dreg:$0x1] =	wrdreg $0xFFFFFFFF  }
0xad: {  	[dreg:$0x0] =	wrdreg $0x60  }
0xae: {  	[dreg:$0x2] =	wrdreg s2  }
0xaf: {  	[dreg:$0x3] =	wrdreg s24  }
0xb0: {  	[dreg:$0x4] =	wrdreg $0x9  }
0xb1: {  	_ =	task.clear_ibuf [dreg:s7], $0x5FFFF;
	_ =	strace $0x90000046  }
0xb2: {  	s29 =	simm.s32 $0x9;
	_ =	strace $0x80000048  }
0xb3: {  	_ =	swait.ge [sflag:s29], $0x1  }
0xb4: {  	[sflag:s29] =	ssyncadd.s32 $0xFFFFFFFF  }
0xb5: {  	_ =	strace $0x90000048  }
0xb6: {  	_ =	sfence  }
0xb7: {  	s30 =	sld [smem:$0x0];
	_ =	sdelay $0x2  }
0xb8: {  	s31 =	sshll.u32 s1, $0xD;
	s1 =	sshrl.u32 s1, $0x2  }
0xb9: {  	s3 =	sand.u32 $0x4000, s31;
	s1 =	sadd.s32 s1, s30  }
0xba: {  	s0 =	sor.u32 s3, s0;
	s1 =	sshll.u32 s1, $0x11  }
0xbb: {  	s0 =	sor.u32 s1, s0  }
0xbc: {  	s0 =	sadd.s32 $0x8F2B, s0  }
0xbd: {  	[sflag:s0] =	ssyncadd.remote.s32 $0x1  }
0xbe: {  	_ =	sfence.sel $0xFFFF  }
0xbf: {  	[dreg:$0x0] =	wrdreg $0xFFFFFFFF;
	(pc) =	sbr.abs _section_cstart, $3  }
0xc0: {  	[dreg:$0x1] =	wrdreg $0xFFFFFFFF  }
0xc1: {  	_ =	task.clear_ibuf [dreg:s7], $0x2FFFF;
	_ =	strace $0x9FFFFFFF  }
0xc2: {  	(tm) =	ssettm $0x7FFFFFFF  }
0xc3: {  	_ =	shalt  }
tec
execute0_lowered:
.L_overlay_start_1:
0x0: {  	(tag) =	ssettag $0x1  }
0x1: {  	s3 =	rddreg [dreg:$0x0];
	s1 =	srdreg.scid  }
0x2: {  	s0 =	stileid.u32;
	s4 =	rddreg [dreg:$0x1]  }
0x3: {  	s2 =	simm.s32 $0x0;
	s9 =	simm.s32 $0x880;
	s10 =	simm.s32 $0x1  }
0x4: {  	s11 =	simm.s32 $0x1100;
	s12 =	simm.s32 $0x5100;
	s13 =	simm.s32 $0x9100  }
0x5: {  	s14 =	simm.s32 $0x2;
	s5 =	sand.u32 $0x1, s1;
	s1 =	rddreg [dreg:$0x2]  }
0x6: {  	s15 =	simm.s32 $0x0;
	s6 =	sshll.u32 s0, $0x1;
	[smem:$0x7FF] =	sst s2  }
0x7: {  	s7 =	sshll.u32 s0, $0xA;
	s6 =	sor.u32 s5, s6;
	_ =	strace $0x80000047  }
.Ltmp0:
0x8: {  	s5 =	ssub.s32 $0x2, s5;
	s8 =	sshll.u32 s6, $0x5;
	(pc) =	sbr.rel .LBB2_1-.Ltmp0, $4  }
0x9: {  	s6 =	sshll.u32 s6, $0x4;
	s31 =	sshrl.u32 s5, $0x1;
	s7 =	sor.u32 s7, s8  }
0xa: {  	s6 =	sadd.s32 s6, s4;
	s8 =	ssub.s32 s5, s31;
	s7 =	sand.u32 $0x3860, s7  }
0xb: {  	v0 =	vimm.s32 $0xFFFFFFFF;
	v2 =	vimm.s32 $0x4190AB0F;
	vm0 =	vcmask $0x3B38;
	s5 =	sadd.s32 $0x600, s6;
	s6 =	smax.u32 s8, $0x1;
	s3 =	sadd.s32 s3, s7  }
0xc: {  	v1 =	vimm.s32 $0x0;
	v2 =	vsel vm0, $0x4190AB0E, v2;
	vm0 =	vmmov $0x3fff;
	s8 =	simm.s32 $0x400;
	s7 =	simm.s32 $0x80;
	s4 =	sadd.s32 $0x10, s3  }
.LBB2_11:
0xd: {  	s15 =	sadd.s32 $0x1, s15  }
0xe: {  	p0 =	sne.s32 s15, s6  }
.Ltmp1:
0xf: {  	[tilespmem:$0x9100] =	vst v3;
	(pc) =	sbr.rel @!p0 .LBB2_12-.Ltmp1, $4  }
0x10: {  	[hbm4b:s5+s2] =	stream.linear.scatter [tilespmem:s13], [sflag:$0x2], $0x80, $0x38;
	[tilespmem:$0x9180] =	vst v63  }
0x11: {  	_ =	swait.ge [sflag:s14], $0x80  }
0x12: {  	[sflag:s14] =	ssyncset.done $0x0  }
0x13: {  	[sflag:s14] =	ssyncadd.s32 $0xFFFFFF80  }
.LBB2_1:
0x14: {  	[tilespmem:s2], [sflag:$0x1] =	stream.strided.gather [hbm4b:s3+s7], $0x800, s8, s7, $0x38;
	[tilespmem:$0x9180] =	vst v63  }
0x15: {  	s17 =	simm.s32 $0x1140  }
0x16: {  	[tilespmem:s9], [sflag:$0x1] =	stream.strided.gather [hbm4b:s4+s7], $0x800, s8, s7, $0x38;
	[tilespmem:$0x9180] =	vst v63  }
0x17: {  	s16 =	simm.s32 $0x5140;
	[tilespmem:s17+$0xFFFFFFC0] =	vst v0  }
0x18: {  	[tilespmem:s16+$0xFFFFFFC0] =	vst v0  }
0x19: {  	[tilespmem:s17+$0xFFFFFFD0] =	vst v0  }
0x1a: {  	[tilespmem:s16+$0xFFFFFFD0] =	vst v0  }
0x1b: {  	[tilespmem:s17+$0xFFFFFFE0] =	vst v0  }
0x1c: {  	[tilespmem:s16+$0xFFFFFFE0] =	vst v0  }
0x1d: {  	[tilespmem:s17+$0xFFFFFFF0] =	vst v0  }
0x1e: {  	[tilespmem:s16+$0xFFFFFFF0] =	vst v0  }
0x1f: {  	[tilespmem:s17+$0x0] =	vst v0  }
0x20: {  	[tilespmem:s16+$0x0] =	vst v0  }
0x21: {  	[tilespmem:s17+$0x10] =	vst v0  }
0x22: {  	[tilespmem:s16+$0x10] =	vst v0  }
0x23: {  	[tilespmem:s17+$0x20] =	vst v0  }
0x24: {  	[tilespmem:s16+$0x20] =	vst v0  }
0x25: {  	[tilespmem:s17+$0x30] =	vst v0  }
0x26: {  	s18 =	simm.s32 $0x11C0;
	s17 =	simm.s32 $0x0;
	[tilespmem:s16+$0x30] =	vst v0  }
.LBB2_2:
0x27: {  	[tilespmem:s18+$0xFFFFFFC0] =	vst v0;
	s16 =	sadd.s32 $0x80, s16  }
0x28: {  	[tilespmem:s16+$0xFFFFFFC0] =	vst v0  }
0x29: {  	[tilespmem:s18+$0xFFFFFFD0] =	vst v0  }
0x2a: {  	[tilespmem:s16+$0xFFFFFFD0] =	vst v0  }
0x2b: {  	[tilespmem:s18+$0xFFFFFFE0] =	vst v0  }
0x2c: {  	[tilespmem:s16+$0xFFFFFFE0] =	vst v0  }
0x2d: {  	[tilespmem:s18+$0xFFFFFFF0] =	vst v0  }
0x2e: {  	[tilespmem:s16+$0xFFFFFFF0] =	vst v0  }
0x2f: {  	[tilespmem:s18+$0x0] =	vst v0  }
0x30: {  	s17 =	sadd.s32 $0x8, s17;
	[tilespmem:s16+$0x0] =	vst v0  }
0x31: {  	p0 =	slt.u32 s17, $0x3F8;
	[tilespmem:s18+$0x10] =	vst v0  }
.Ltmp2:
0x32: {  	[tilespmem:s16+$0x10] =	vst v0;
	(pc) =	sbr.rel @p0 .LBB2_2-.Ltmp2, $4  }
0x33: {  	[tilespmem:s18+$0x20] =	vst v0  }
0x34: {  	[tilespmem:s16+$0x20] =	vst v0  }
0x35: {  	[tilespmem:s18+$0x30] =	vst v0  }
0x36: {  	s18 =	sadd.s32 $0x80, s18;
	[tilespmem:s16+$0x30] =	vst v0  }
0x37: {  	_ =	swait.ge [sflag:s10], $0x800  }
0x38: {  	[sflag:s10] =	ssyncset.done $0x0  }
0x39: {  	[sflag:s10] =	ssyncadd.s32 $0xFFFFF800  }
.Ltmp3:
0x3a: {  	_ =	swait.ge [sflag:s10], $0x800;
	(pc) =	sbr.rel .LBB2_4-.Ltmp3, $4  }
0x3b: {  	[sflag:s10] =	ssyncset.done $0x0  }
0x3c: {  	v3 =	vimm.s32 $0x0;
	[sflag:s10] =	ssyncadd.s32 $0xFFFFF800  }
0x3d: {  	[tilespmem:$0x800] =	vst v3  }
0x3e: {  	s16 =	simm.s32 $0x0;
	[tilespmem:$0x1080] =	vst v3  }
.LBB2_7:
0x3f: {  	s16 =	sadd.s32 $0x1, s16  }
0x40: {  	p0 =	sne.s32 s16, $0x7F  }
.Ltmp4:
0x41: {  	_ = 	snop;
	(pc) =	sbr.rel @!p0 .LBB2_8-.Ltmp4, $1  }
0x42: {  	_ =	sdelay $0x3  }
.LBB2_4:
0x43: {  	s17 =	sshll.u32 s16, $0x4  }
0x44: {  	v4 =	vld [tilespmem:s17+$0x0]  }
0x45: {  	v5 =	vld [tilespmem:s17+$0x1];
	_ =	sdelay $0x2  }
0x46: {  	v6 =	vld [tilespmem:s17+$0x2];
	_ =	sdelay $0x1  }
0x47: {  	v4 =	vmul.u32 $0xF4240, v4;
	v5 =	vmul.u32 $0x3E8, v5;
	_ =	sdelay $0x1  }
0x48: {  	v4 =	vadd.s32 v4, v5  }
0x49: {  	v4 =	vadd.s32 v6, v4  }
0x4a: {  	v5 =	vmul.u32 $0x1E3779B9, v4;
	_ =	sdelay $0x1  }
0x4b: {  	v6 =	vshrl.u32 v5, $0x11  }
0x4c: {  	v7 =	vadd.s32 $0x1, v6;
	v5 =	vand.u32 $0x3FFF, v6  }
0x4d: {  	v8 =	vld [tilespmem:s17+$0x880];
	v9 =	vand.u32 $0x3FFF, v7  }
0x4e: {  	v10 =	vld [tilespmem:s17+$0x881];
	v11 =	vadd.s32 $0x2, v6  }
0x4f: {  	v12 =	vand.u32 $0x3FFF, v11  }
0x50: {  	v13 =	vld [tilespmem:s17+$0x882]  }
0x51: {  	v14 =	vld.idx.msk [tilespmem:v5+s11+$0x0], $0xffff  }
0x52: {  	v9 =	vld.idx.msk [tilespmem:v9+s11+$0x0], $0xffff  }
0x53: {  	v5 =	vmul.u32 $0xF4240, v8;
	v8 =	vmul.u32 $0x3E8, v10  }
0x54: {  	v10 =	vld.idx.msk [tilespmem:v12+s11+$0x0], $0xffff  }
0x55: {  	v5 =	vadd.s32 v5, v8  }
0x56: {  	v5 =	vadd.s32 v13, v5  }
0x57: {  	vm2 =	veq.s32 v14, $0xFFFFFFFF;
	vm1 =	vne.s32 v14, $0xFFFFFFFF;
	vm3 =	veq.s32 v9, $0xFFFFFFFF  }
0x58: {  	vm4 =	veq.s32 v14, v4;
	vm5 =	veq.s32 v9, v4;
	vm6 =	vmor vm2, vm3  }
0x59: {  	vm1 =	vmand vm5, vm1;
	vm5 =	veq.s32 v10, v4;
	vm6 =	vmneg vm6  }
0x5a: {  	vm7 =	veq.s32 v10, $0xFFFFFFFF;
	vm1 =	vmor vm4, vm1;
	vm4 =	vmand vm5, vm6  }
0x5b: {  	v7 =	vsel vm3, v7, v11;
	vm3 =	vmor vm3, vm7;
	vm1 =	vmor vm1, vm4  }
0x5c: {  	v8 =	vmul.u32 $0x1E3779B9, v5;
	vm3 =	vmor vm2, vm3;
	vm4 =	vmneg vm1  }
0x5d: {  	v7 =	vsel vm2, v6, v7;
	vm5 =	vmand vm3, vm4  }
0x5e: {  	v8 =	vshrl.u32 v8, $0x11;
	v7 =	vand.u32 $0x3FFF, v7  }
0x5f: {  	v9 =	vadd.s32 $0x1, v8;
	v10 =	vand.u32 $0x3FFF, v8  }
0x60: {  	v11 =	vand.u32 $0x3FFF, v9  }
0x61: {  	v57 =	vadd.s32 $0x2, v8  }
0x62: {  	v58 =	vand.u32 $0x3FFF, v57  }
0x63: {  	[tilespmem:v7+s11+$0x0] =	vst.idx.msk vm5, v4  }
0x64: {  	v10 =	vld.idx.msk [tilespmem:v10+s12+$0x0], $0xffff  }
0x65: {  	v11 =	vld.idx.msk [tilespmem:v11+s12+$0x0], $0xffff;
	_ =	sdelay $0x1  }
0x66: {  	v13 =	vld.idx.msk [tilespmem:v58+s12+$0x0], $0xffff;
	_ =	sdelay $0x2  }
0x67: {  	vm2 =	veq.s32 v10, $0xFFFFFFFF;
	vm3 =	vne.s32 v10, $0xFFFFFFFF;
	vm4 =	veq.s32 v11, $0xFFFFFFFF  }
0x68: {  	vm6 =	veq.s32 v10, v5;
	vm7 =	veq.s32 v11, v5;
	vm8 =	vmor vm2, vm4  }
0x69: {  	vm3 =	vmand vm7, vm3;
	vm7 =	veq.s32 v13, v5;
	vm8 =	vmneg vm8  }
0x6a: {  	vm9 =	veq.s32 v13, $0xFFFFFFFF;
	vm3 =	vmor vm6, vm3;
	vm6 =	vmand vm7, vm8  }
0x6b: {  	vm3 =	vmor vm3, vm6;
	vm6 =	vmor vm4, vm9  }
0x6c: {  	v9 =	vsel vm4, v9, v57;
	vm4 =	vmneg vm3;
	vm6 =	vmor vm2, vm6  }
0x6d: {  	v9 =	vsel vm2, v8, v9;
	vm6 =	vmand vm6, vm4  }
0x6e: {  	v9 =	vand.u32 $0x3FFF, v9;
	_ =	sdelay $0x4  }
0x6f: {  	v10 =	vld.idx.msk [tilespmem:v7+s11+$0x0], $0xffff;
	[tilespmem:v9+s12+$0x0] =	vst.idx.msk vm6, v5  }
0x70: {  	v11 =	vld.idx.msk [tilespmem:v9+s12+$0x0], $0xffff;
	_ =	sdelay $0x4  }
0x71: {  	vm2 =	veq.s32 v10, v4;
	vm4 =	veq.s32 v11, v5  }
0x72: {  	vm7 =	vmand vm2, vm5;
	vm8 =	vmand vm4, vm6  }
0x73: {  	vm1 =	vmor vm1, vm7;
	vm2 =	vmor vm3, vm8  }
0x74: {  	vm1 =	vmneg vm1;
	vm2 =	vmneg vm2  }
0x75: {  	vm3 =	vmor vm1, vm2  }
0x76: {  	v59 =	vmpcnt.ones.xlane vm3;
	_ =	sdelay $0x1  }
0x77: {  	(v2sf) =	vpush v59, $0x0;
	_ =	sdelay $0x1  }
0x78: {  	(xrf1) =	vunique.msk.u32 $0xffff, v4  }
0x79: {  	(xrf1) =	vunique.msk.u32 $0xffff, v5;
	_ =	sdelay $0xb  }
0x7a: {  	s31 =	spop (v2sf)  }
0x7b: {  	_, v60, _ =	vpop (xrf1);
	p0 =	slt.s32 s31, $0x1  }
.Ltmp5:
0x7c: {  	_, v61, _ =	vpop (xrf1);
	vm3 =	veq.s32 v60, $0x1;
	(pc) =	sbr.rel @p0 .LBB2_7-.Ltmp5, $4  }
0x7d: {  	vm4 =	veq.s32 v61, $0x1;
	vm7 =	vmand vm3, vm7  }
0x7e: {  	v62 =	vsel vm7, $0x1, v1;
	vm7 =	vmand vm4, vm8  }
0x7f: {  	v3 =	vadd.s32 v62, v3;
	v63 =	vsel vm7, $0x1, v1  }
0x80: {  	v3 =	vadd.s32 v63, v3  }
0x81: {  	vm7 =	vne.s32 v11, v5;
	vm8 =	vne.s32 v10, v4  }
0x82: {  	v8 =	vadd.s32 $0x3, v8;
	v6 =	vadd.s32 $0x3, v6;
	vm6 =	vmand vm6, vm7  }
0x83: {  	v8 =	vand.u32 $0x3FFF, v8;
	vm5 =	vmand vm5, vm8;
	v63 =	vand.u32 $0x3FFF, v6  }
0x84: {  	v6 =	vsel vm6, v9, v8;
	v7 =	vsel vm5, v7, v63  }
.LBB2_6:
0x85: {  	v8 =	vadd.s32 $0x1, v7  }
0x86: {  	v9 =	vand.u32 $0x3FFF, v8  }
0x87: {  	v10 =	vadd.s32 $0x2, v7  }
0x88: {  	v11 =	vand.u32 $0x3FFF, v10;
	_ =	sdelay $0x1  }
0x89: {  	v12 =	vld.idx.msk [tilespmem:v7+s11+$0x0], $0xffff  }
0x8a: {  	v9 =	vld.idx.msk [tilespmem:v9+s11+$0x0], $0xffff;
	_ =	sdelay $0x1  }
0x8b: {  	v11 =	vld.idx.msk [tilespmem:v11+s11+$0x0], $0xffff;
	_ =	sdelay $0x2  }
0x8c: {  	vm7 =	veq.s32 v12, $0xFFFFFFFF;
	vm5 =	vne.s32 v12, $0xFFFFFFFF;
	vm8 =	veq.s32 v9, $0xFFFFFFFF  }
0x8d: {  	vm6 =	veq.s32 v12, v4;
	vm9 =	veq.s32 v9, v4;
	vm10 =	vmor vm7, vm8  }
0x8e: {  	vm12 =	veq.s32 v11, v4;
	vm5 =	vmand vm9, vm5;
	vm10 =	vmneg vm10  }
0x8f: {  	vm11 =	veq.s32 v11, $0xFFFFFFFF;
	vm5 =	vmor vm6, vm5;
	vm6 =	vmand vm12, vm10  }
0x90: {  	vm6 =	vmor vm5, vm6;
	vm5 =	vmor vm8, vm11  }
0x91: {  	vm13 =	vmneg vm6;
	vm5 =	vmor vm7, vm5  }
0x92: {  	v8 =	vsel vm8, v8, v10;
	vm5 =	vmand vm5, vm13  }
0x93: {  	v8 =	vand.u32 $0x3FFF, v8;
	vm5 =	vmand vm1, vm5  }
0x94: {  	v8 =	vsel vm7, v7, v8  }
0x95: {  	v55 =	vadd.s32 $0x1, v6  }
0x96: {  	v56 =	vand.u32 $0x3FFF, v55  }
0x97: {  	v57 =	vadd.s32 $0x2, v6  }
0x98: {  	v58 =	vand.u32 $0x3FFF, v57  }
0x99: {  	[tilespmem:v8+s11+$0x0] =	vst.idx.msk vm5, v4  }
0x9a: {  	v13 =	vld.idx.msk [tilespmem:v6+s12+$0x0], $0xffff  }
0x9b: {  	v10 =	vld.idx.msk [tilespmem:v56+s12+$0x0], $0xffff;
	_ =	sdelay $0x1  }
0x9c: {  	v12 =	vld.idx.msk [tilespmem:v58+s12+$0x0], $0xffff;
	_ =	sdelay $0x2  }
0x9d: {  	vm7 =	veq.s32 v13, $0xFFFFFFFF;
	vm8 =	vne.s32 v13, $0xFFFFFFFF;
	vm9 =	veq.s32 v10, $0xFFFFFFFF  }
0x9e: {  	vm10 =	veq.s32 v13, v5;
	vm11 =	veq.s32 v10, v5;
	vm12 =	vmor vm7, vm9  }
0x9f: {  	vm8 =	vmand vm11, vm8;
	vm11 =	veq.s32 v12, v5;
	vm12 =	vmneg vm12  }
0xa0: {  	vm15 =	veq.s32 v12, $0xFFFFFFFF;
	vm8 =	vmor vm10, vm8;
	vm14 =	vmand vm11, vm12  }
0xa1: {  	vm12 =	vmor vm9, vm15;
	vm8 =	vmor vm8, vm14  }
0xa2: {  	vm10 =	vmor vm7, vm12;
	vm13 =	vmneg vm8  }
0xa3: {  	v9 =	vsel vm9, v55, v57;
	vm14 =	vmand vm10, vm13  }
0xa4: {  	v9 =	vand.u32 $0x3FFF, v9;
	vm9 =	vmand vm2, vm14  }
0xa5: {  	v9 =	vsel vm7, v6, v9;
	_ =	sdelay $0x4  }
0xa6: {  	v59 =	vld.idx.msk [tilespmem:v8+s11+$0x0], $0xffff;
	[tilespmem:v9+s12+$0x0] =	vst.idx.msk vm9, v5  }
0xa7: {  	v60 =	vld.idx.msk [tilespmem:v9+s12+$0x0], $0xffff;
	_ =	sdelay $0x4  }
0xa8: {  	vm7 =	veq.s32 v59, v4;
	vm15 =	veq.s32 v60, v5  }
0xa9: {  	vm7 =	vmand vm7, vm5;
	vm10 =	vmand vm15, vm9  }
0xaa: {  	vm6 =	vmor vm6, vm7;
	vm8 =	vmor vm8, vm10  }
0xab: {  	vm6 =	vmneg vm6;
	vm8 =	vmneg vm8  }
0xac: {  	vm1 =	vmand vm1, vm6;
	vm2 =	vmand vm2, vm8  }
0xad: {  	vm6 =	vmor vm1, vm2  }
0xae: {  	v61 =	vmpcnt.ones.xlane vm6;
	_ =	sdelay $0x1  }
0xaf: {  	(v2sf) =	vpush v61, $0x0;
	_ =	sdelay $0xe  }
0xb0: {  	s17 =	spop (v2sf)  }
0xb1: {  	v7 =	vadd.s32 $0x3, v7;
	p0 =	sgt.s32 s17, $0x0  }
.Ltmp6:
0xb2: {  	v7 =	vand.u32 $0x3FFF, v7;
	v6 =	vadd.s32 $0x3, v6;
	vm6 =	vmand vm3, vm7;
	(pc) =	sbr.rel @p0 .LBB2_6-.Ltmp6, $4  }
0xb3: {  	v6 =	vand.u32 $0x3FFF, v6;
	vm7 =	vne.s32 v59, v4;
	v62 =	vsel vm6, $0x1, v1  }
0xb4: {  	vm5 =	vmand vm5, vm7;
	vm6 =	vne.s32 v60, v5;
	vm7 =	vmand vm4, vm10  }
0xb5: {  	v3 =	vadd.s32 v62, v3;
	v63 =	vsel vm7, $0x1, v1;
	vm6 =	vmand vm9, vm6  }
0xb6: {  	v7 =	vsel vm5, v8, v7;
	v3 =	vadd.s32 v63, v3;
	v6 =	vsel vm6, v9, v6  }
.Ltmp7:
0xb7: {  	_ = 	snop;
	(pc) =	sbr.rel .LBB2_7-.Ltmp7, $1  }
0xb8: {  	_ =	sdelay $0x3  }
.LBB2_8:
0xb9: {  	v4 =	vld [tilespmem:$0x7F0]  }
0xba: {  	v5 =	vld [tilespmem:$0x7F1];
	_ =	sdelay $0x2  }
0xbb: {  	v6 =	vld [tilespmem:$0x7F2];
	_ =	sdelay $0x1  }
0xbc: {  	v4 =	vmul.u32 $0xF4240, v4;
	v5 =	vmul.u32 $0x3E8, v5;
	_ =	sdelay $0x1  }
0xbd: {  	v4 =	vadd.s32 v4, v5  }
0xbe: {  	v4 =	vadd.s32 v6, v4  }
0xbf: {  	v4 =	vsel vm0, v4, v2  }
0xc0: {  	v5 =	vmul.u32 $0x1E3779B9, v4;
	_ =	sdelay $0x1  }
0xc1: {  	v6 =	vshrl.u32 v5, $0x11  }
0xc2: {  	v9 =	vld [tilespmem:$0x1071];
	v7 =	vadd.s32 $0x1, v6;
	v8 =	vand.u32 $0x3FFF, v6  }
0xc3: {  	v5 =	vld [tilespmem:$0x1070];
	v10 =	vand.u32 $0x3FFF, v7  }
0xc4: {  	v11 =	vadd.s32 $0x2, v6  }
0xc5: {  	v12 =	vand.u32 $0x3FFF, v11  }
0xc6: {  	v13 =	vld [tilespmem:$0x1072]  }
0xc7: {  	v8 =	vld.idx.msk [tilespmem:v8+s11+$0x0], $0xffff  }
0xc8: {  	v9 =	vmul.u32 $0x3E8, v9;
	v5 =	vmul.u32 $0xF4240, v5;
	v10 =	vld.idx.msk [tilespmem:v10+s11+$0x0], $0xffff;
	_ =	sdelay $0x1  }
0xc9: {  	v5 =	vadd.s32 v5, v9;
	v9 =	vld.idx.msk [tilespmem:v12+s11+$0x0], $0xffff  }
0xca: {  	v5 =	vadd.s32 v13, v5  }
0xcb: {  	v5 =	vsel vm0, v5, v2  }
0xcc: {  	vm2 =	veq.s32 v8, $0xFFFFFFFF;
	vm1 =	vne.s32 v8, $0xFFFFFFFF;
	vm3 =	veq.s32 v10, $0xFFFFFFFF  }
0xcd: {  	vm4 =	veq.s32 v8, v4;
	vm5 =	veq.s32 v10, v4;
	vm6 =	vmor vm2, vm3  }
0xce: {  	vm1 =	vmand vm5, vm1;
	vm5 =	veq.s32 v9, v4;
	vm6 =	vmneg vm6  }
0xcf: {  	vm7 =	veq.s32 v9, $0xFFFFFFFF;
	vm1 =	vmor vm4, vm1;
	vm4 =	vmand vm5, vm6  }
0xd0: {  	v7 =	vsel vm3, v7, v11;
	vm3 =	vmor vm3, vm7;
	vm1 =	vmor vm1, vm4  }
0xd1: {  	v8 =	vmul.u32 $0x1E3779B9, v5;
	vm3 =	vmor vm2, vm3;
	vm4 =	vmneg vm1  }
0xd2: {  	v7 =	vsel vm2, v6, v7;
	vm5 =	vmand vm3, vm4  }
0xd3: {  	v8 =	vshrl.u32 v8, $0x11;
	v7 =	vand.u32 $0x3FFF, v7  }
0xd4: {  	v9 =	vadd.s32 $0x1, v8;
	v10 =	vand.u32 $0x3FFF, v8  }
0xd5: {  	v11 =	vand.u32 $0x3FFF, v9  }
0xd6: {  	v57 =	vadd.s32 $0x2, v8  }
0xd7: {  	v58 =	vand.u32 $0x3FFF, v57  }
0xd8: {  	[tilespmem:v7+s11+$0x0] =	vst.idx.msk vm5, v4  }
0xd9: {  	v10 =	vld.idx.msk [tilespmem:v10+s12+$0x0], $0xffff  }
0xda: {  	v11 =	vld.idx.msk [tilespmem:v11+s12+$0x0], $0xffff;
	_ =	sdelay $0x1  }
0xdb: {  	v13 =	vld.idx.msk [tilespmem:v58+s12+$0x0], $0xffff;
	_ =	sdelay $0x2  }
0xdc: {  	vm2 =	veq.s32 v10, $0xFFFFFFFF;
	vm3 =	vne.s32 v10, $0xFFFFFFFF;
	vm4 =	veq.s32 v11, $0xFFFFFFFF  }
0xdd: {  	vm6 =	veq.s32 v10, v5;
	vm7 =	veq.s32 v11, v5;
	vm8 =	vmor vm2, vm4  }
0xde: {  	vm3 =	vmand vm7, vm3;
	vm7 =	veq.s32 v13, v5;
	vm8 =	vmneg vm8  }
0xdf: {  	vm9 =	veq.s32 v13, $0xFFFFFFFF;
	vm3 =	vmor vm6, vm3;
	vm6 =	vmand vm7, vm8  }
0xe0: {  	vm3 =	vmor vm3, vm6;
	vm6 =	vmor vm4, vm9  }
0xe1: {  	v9 =	vsel vm4, v9, v57;
	vm4 =	vmneg vm3;
	vm6 =	vmor vm2, vm6  }
0xe2: {  	v9 =	vsel vm2, v8, v9;
	vm6 =	vmand vm6, vm4  }
0xe3: {  	v9 =	vand.u32 $0x3FFF, v9;
	_ =	sdelay $0x4  }
0xe4: {  	v10 =	vld.idx.msk [tilespmem:v7+s11+$0x0], $0xffff;
	[tilespmem:v9+s12+$0x0] =	vst.idx.msk vm6, v5  }
0xe5: {  	v11 =	vld.idx.msk [tilespmem:v9+s12+$0x0], $0xffff;
	_ =	sdelay $0x4  }
0xe6: {  	vm2 =	veq.s32 v10, v4;
	vm4 =	veq.s32 v11, v5  }
0xe7: {  	vm7 =	vmand vm2, vm5;
	vm8 =	vmand vm4, vm6  }
0xe8: {  	vm1 =	vmor vm1, vm7;
	vm2 =	vmor vm3, vm8  }
0xe9: {  	vm1 =	vmneg vm1;
	vm2 =	vmneg vm2  }
0xea: {  	vm3 =	vmor vm1, vm2  }
0xeb: {  	v59 =	vmpcnt.ones.xlane vm3;
	_ =	sdelay $0x1  }
0xec: {  	(v2sf) =	vpush v59, $0x0;
	_ =	sdelay $0x1  }
0xed: {  	(xrf1) =	vunique.msk.u32 $0xffff, v4  }
0xee: {  	(xrf1) =	vunique.msk.u32 $0xffff, v5;
	_ =	sdelay $0xb  }
0xef: {  	s16 =	spop (v2sf)  }
0xf0: {  	_, v60, _ =	vpop (xrf1);
	p0 =	slt.s32 s16, $0x1  }
.Ltmp8:
0xf1: {  	_, v61, _ =	vpop (xrf1);
	vm3 =	veq.s32 v60, $0x1;
	(pc) =	sbr.rel @p0 .LBB2_11-.Ltmp8, $4  }
0xf2: {  	vm4 =	veq.s32 v61, $0x1;
	vm7 =	vmand vm3, vm7  }
0xf3: {  	v62 =	vsel vm7, $0x1, v1;
	vm7 =	vmand vm4, vm8  }
0xf4: {  	v3 =	vadd.s32 v62, v3;
	v63 =	vsel vm7, $0x1, v1  }
0xf5: {  	v3 =	vadd.s32 v63, v3  }
0xf6: {  	vm7 =	vne.s32 v11, v5;
	vm8 =	vne.s32 v10, v4  }
0xf7: {  	v8 =	vadd.s32 $0x3, v8;
	v6 =	vadd.s32 $0x3, v6;
	vm6 =	vmand vm6, vm7  }
0xf8: {  	v8 =	vand.u32 $0x3FFF, v8;
	vm5 =	vmand vm5, vm8;
	v63 =	vand.u32 $0x3FFF, v6  }
0xf9: {  	v6 =	vsel vm6, v9, v8;
	v7 =	vsel vm5, v7, v63  }
.LBB2_10:
0xfa: {  	v8 =	vadd.s32 $0x1, v7  }
0xfb: {  	v9 =	vand.u32 $0x3FFF, v8  }
0xfc: {  	v10 =	vadd.s32 $0x2, v7  }
0xfd: {  	v11 =	vand.u32 $0x3FFF, v10;
	_ =	sdelay $0x1  }
0xfe: {  	v12 =	vld.idx.msk [tilespmem:v7+s11+$0x0], $0xffff  }
0xff: {  	v9 =	vld.idx.msk [tilespmem:v9+s11+$0x0], $0xffff;
	_ =	sdelay $0x1  }
0x100: {  	v11 =	vld.idx.msk [tilespmem:v11+s11+$0x0], $0xffff;
	_ =	sdelay $0x2  }
0x101: {  	vm7 =	veq.s32 v12, $0xFFFFFFFF;
	vm5 =	vne.s32 v12, $0xFFFFFFFF;
	vm8 =	veq.s32 v9, $0xFFFFFFFF  }
0x102: {  	vm6 =	veq.s32 v12, v4;
	vm9 =	veq.s32 v9, v4;
	vm10 =	vmor vm7, vm8  }
0x103: {  	vm12 =	veq.s32 v11, v4;
	vm5 =	vmand vm9, vm5;
	vm10 =	vmneg vm10  }
0x104: {  	vm11 =	veq.s32 v11, $0xFFFFFFFF;
	vm5 =	vmor vm6, vm5;
	vm6 =	vmand vm12, vm10  }
0x105: {  	vm6 =	vmor vm5, vm6;
	vm5 =	vmor vm8, vm11  }
0x106: {  	vm13 =	vmneg vm6;
	vm5 =	vmor vm7, vm5  }
0x107: {  	v8 =	vsel vm8, v8, v10;
	vm5 =	vmand vm5, vm13  }
0x108: {  	v8 =	vand.u32 $0x3FFF, v8;
	vm5 =	vmand vm1, vm5  }
0x109: {  	v8 =	vsel vm7, v7, v8  }
0x10a: {  	v55 =	vadd.s32 $0x1, v6  }
0x10b: {  	v56 =	vand.u32 $0x3FFF, v55  }
0x10c: {  	v57 =	vadd.s32 $0x2, v6  }
0x10d: {  	v58 =	vand.u32 $0x3FFF, v57  }
0x10e: {  	[tilespmem:v8+s11+$0x0] =	vst.idx.msk vm5, v4  }
0x10f: {  	v13 =	vld.idx.msk [tilespmem:v6+s12+$0x0], $0xffff  }
0x110: {  	v10 =	vld.idx.msk [tilespmem:v56+s12+$0x0], $0xffff;
	_ =	sdelay $0x1  }
0x111: {  	v12 =	vld.idx.msk [tilespmem:v58+s12+$0x0], $0xffff;
	_ =	sdelay $0x2  }
0x112: {  	vm7 =	veq.s32 v13, $0xFFFFFFFF;
	vm8 =	vne.s32 v13, $0xFFFFFFFF;
	vm9 =	veq.s32 v10, $0xFFFFFFFF  }
0x113: {  	vm10 =	veq.s32 v13, v5;
	vm11 =	veq.s32 v10, v5;
	vm12 =	vmor vm7, vm9  }
0x114: {  	vm8 =	vmand vm11, vm8;
	vm11 =	veq.s32 v12, v5;
	vm12 =	vmneg vm12  }
0x115: {  	vm15 =	veq.s32 v12, $0xFFFFFFFF;
	vm8 =	vmor vm10, vm8;
	vm14 =	vmand vm11, vm12  }
0x116: {  	vm12 =	vmor vm9, vm15;
	vm8 =	vmor vm8, vm14  }
0x117: {  	vm10 =	vmor vm7, vm12;
	vm13 =	vmneg vm8  }
0x118: {  	v9 =	vsel vm9, v55, v57;
	vm14 =	vmand vm10, vm13  }
0x119: {  	v9 =	vand.u32 $0x3FFF, v9;
	vm9 =	vmand vm2, vm14  }
0x11a: {  	v9 =	vsel vm7, v6, v9;
	_ =	sdelay $0x4  }
0x11b: {  	v59 =	vld.idx.msk [tilespmem:v8+s11+$0x0], $0xffff;
	[tilespmem:v9+s12+$0x0] =	vst.idx.msk vm9, v5  }
0x11c: {  	v60 =	vld.idx.msk [tilespmem:v9+s12+$0x0], $0xffff;
	_ =	sdelay $0x4  }
0x11d: {  	vm7 =	veq.s32 v59, v4;
	vm15 =	veq.s32 v60, v5  }
0x11e: {  	vm7 =	vmand vm7, vm5;
	vm10 =	vmand vm15, vm9  }
0x11f: {  	vm6 =	vmor vm6, vm7;
	vm8 =	vmor vm8, vm10  }
0x120: {  	vm6 =	vmneg vm6;
	vm8 =	vmneg vm8  }
0x121: {  	vm1 =	vmand vm1, vm6;
	vm2 =	vmand vm2, vm8  }
0x122: {  	vm6 =	vmor vm1, vm2  }
0x123: {  	v61 =	vmpcnt.ones.xlane vm6;
	_ =	sdelay $0x1  }
0x124: {  	(v2sf) =	vpush v61, $0x0;
	_ =	sdelay $0xe  }
0x125: {  	s16 =	spop (v2sf)  }
0x126: {  	v7 =	vadd.s32 $0x3, v7;
	p0 =	sgt.s32 s16, $0x0  }
.Ltmp9:
0x127: {  	v7 =	vand.u32 $0x3FFF, v7;
	v6 =	vadd.s32 $0x3, v6;
	vm6 =	vmand vm3, vm7;
	(pc) =	sbr.rel @p0 .LBB2_10-.Ltmp9, $4  }
0x128: {  	v6 =	vand.u32 $0x3FFF, v6;
	vm7 =	vne.s32 v59, v4;
	v62 =	vsel vm6, $0x1, v1  }
0x129: {  	vm5 =	vmand vm5, vm7;
	vm6 =	vne.s32 v60, v5;
	vm7 =	vmand vm4, vm10  }
0x12a: {  	v3 =	vadd.s32 v62, v3;
	v63 =	vsel vm7, $0x1, v1;
	vm6 =	vmand vm9, vm6  }
0x12b: {  	v7 =	vsel vm5, v8, v7;
	v3 =	vadd.s32 v63, v3;
	v6 =	vsel vm6, v9, v6  }
.Ltmp10:
0x12c: {  	_ = 	snop;
	(pc) =	sbr.rel .LBB2_11-.Ltmp10, $1  }
0x12d: {  	_ =	sdelay $0x3  }
.LBB2_12:
0x12e: {  	_ =	sfence.sel $0x180000  }
0x12f: {  	[bflag:$0x0] =	sbarrier.arrive $0xFFFF  }
0x130: {  	p0 =	sne.s32 s0, $0x0;
	_ =	strace $0x90000047  }
0x131: {  	s0 =	sadd.s32 @!p0 $0x100000, s1;
	[bflag:$0x2] =	sbarrier.arrive $0xFFFF  }
0x132: {  	[sflag:s0] =	ssyncadd.tile.s32 @!p0 $0x1;
	_ =	shalt  }
.Lfunc_end2:
_tile_overlayer_lowered:
.L_overlay_start_2:
0x133: {  	(tag) =	ssettag $0x2  }
0x134: {  	s0 =	rddreg [dreg:$0x0];
	s2 =	stileid.u32  }
0x135: {  	s1 =	rddreg [dreg:$0x1];
	p0 =	sne.s32 s2, $0x0  }
0x136: {  	s3 =	rddreg [dreg:$0x2];
	[bflag:$0x3] =	sbarrier.arrive $0xFFFF;
	s2 =	simm.s32 @!p0 $0x1C02  }
0x137: {  	[timem:s3], [sflag:s2] =	dma.local @!p0 [hbm:s0], s1  }
0x138: {  	s0 =	simm.s32 @!p0 $0x2  }
0x139: {  	_ =	swait.ge @!p0 [sflag:s0], s1  }
0x13a: {  	s1 =	ssub.s32 @!p0 $0x0, s1;
	[sflag:s0] =	ssyncset.done @!p0 $0x0  }
0x13b: {  	[sflag:s0] =	ssyncadd.s32 @!p0 s1  }
0x13c: {  	[bflag:$0x3] =	sbarrier.arrive $0xFFFF  }
0x13d: {  	_ =	shalt  }

</sc_bundles>
